<compile_context>
chip_gen: v7x
topology: tpu7x:2x2x1
jax: 0.10.2.dev20260603
libtpu: 0.0.44.dev20260713+nightly
codegen_flags: <defaults>
</compile_context>

<pallas_src>
import functools

import jax
import jax.numpy as jnp
from jax import lax
from jax.experimental import pallas as pl
from jax.experimental.pallas import tpu as pltpu
from jax.experimental.pallas import tpu_sc as plsc

VOCAB = 1000000
EMBED_DIM = 64
BATCH = 4096
HIST = 50
TOT = BATCH * HIST

NC = 2
NS = 16
NW = NC * NS

CHUNK = 128
PER_W = TOT // NW
N_CH = PER_W // CHUNK
CPB = 5
BROWS = CPB * CHUNK
NBAT = N_CH // CPB


def _build():
  mesh = plsc.VectorSubcoreMesh(core_axis_name="c", subcore_axis_name="s")

  @functools.partial(
      pl.kernel,
      mesh=mesh,
      compiler_params=pltpu.CompilerParams(use_tc_tiling_on_sc=False),
      out_type=jax.ShapeDtypeStruct((TOT, EMBED_DIM), jnp.float32),
      scratch_types=[
          pltpu.VMEM((N_CH, CHUNK), jnp.int32),
          pltpu.VMEM((BROWS, EMBED_DIM), jnp.float32),
          pltpu.VMEM((BROWS, EMBED_DIM), jnp.float32),
          pltpu.SemaphoreType.DMA,
          pltpu.SemaphoreType.DMA,
          pltpu.SemaphoreType.DMA,
          pltpu.SemaphoreType.DMA,
      ],
  )
  def emb_kernel(idx_hbm, table_hbm, out_hbm, idx_v, buf0, buf1,
                 gsem0, gsem1, ssem0, ssem1):
    bufs = (buf0, buf1)
    gsems = (gsem0, gsem1)
    ssems = (ssem0, ssem1)
    wid = lax.axis_index("s") * NC + lax.axis_index("c")
    base_row = wid * PER_W
    pltpu.sync_copy(idx_hbm.at[wid], idx_v)

    def fire_gathers(t, b):
      for k in range(CPB):
        pltpu.async_copy(table_hbm.at[idx_v.at[t * CPB + k]],
                         bufs[b].at[pl.ds(k * CHUNK, CHUNK)], gsems[b])

    def drain_gathers(t, b):
      for k in range(CPB):
        pltpu.make_async_copy(table_hbm.at[idx_v.at[t * CPB + k]],
                              bufs[b].at[pl.ds(k * CHUNK, CHUNK)],
                              gsems[b]).wait()

    fire_gathers(0, 0)
    fire_gathers(1, 1)

    def body(g, _):
      for b in range(2):
        t = g * 2 + b
        drain_gathers(t, b)
        pltpu.async_copy(bufs[b], out_hbm.at[pl.ds(base_row + t * BROWS,
                                                   BROWS)], ssems[b])
        nxt = t + 2

        @pl.when(nxt < NBAT)
        def _():
          pltpu.make_async_copy(bufs[b],
                                out_hbm.at[pl.ds(base_row + t * BROWS,
                                                 BROWS)], ssems[b]).wait()
          fire_gathers(nxt, b)

      return ()

    lax.fori_loop(0, NBAT // 2, body, (), unroll=False)
    for b in range(2):
      t = NBAT - 2 + b
      pltpu.make_async_copy(bufs[b],
                            out_hbm.at[pl.ds(base_row + t * BROWS, BROWS)],
                            ssems[b]).wait()

  return emb_kernel


_emb_kernel = _build()


@jax.jit
def kernel(inputs, embeddings):
  idx = inputs.reshape(NW, N_CH, CHUNK)
  out = _emb_kernel(idx, embeddings)
  return out.reshape(BATCH, HIST, EMBED_DIM)

# --- scband reference (transcript-rebuilt; emitter-appended) ---
"""Pipeline reference for scband-pre-trained-word-embedding-74440373174443 (READ-ONLY COPY).

The authoritative reference and input builder live on the scoring server;
editing this copy changes nothing except your own understanding.
"""

import jax, jax.numpy as jnp
import numpy as np

VOCAB = 1000000
EMBED_DIM = 64
PAD_IDX = 0
BATCH = 4096
HIST = 50


def setup_inputs(seed: int = 0) -> dict:
    key = jax.random.key(seed)
    k_idx, k_emb = jax.random.split(key)
    inputs = jax.random.randint(k_idx, (BATCH, HIST), 0, VOCAB, dtype=jnp.int32)
    embeddings = jax.random.normal(k_emb, (VOCAB, EMBED_DIM), dtype=jnp.float32) * 0.02
    # padding row conventionally zero (padding_idx semantics)
    embeddings = embeddings.at[PAD_IDX].set(0.0)
    return {"inputs": inputs, "embeddings": embeddings}


def reference(inputs, embeddings):
    # Eval-mode forward of PreTrainedWordEmbedding:
    #   F.embedding(input, self.embeddings, padding_idx=self.vocab.pad_index)
    # padding_idx only affects the backward pass; forward is a plain row gather.
    out = jnp.take(embeddings, inputs, axis=0)
    return out

if __name__ == "__main__":
    import jax
    _d = setup_inputs()
    print(jax.jit(kernel)(*tuple(_d.values())))

</pallas_src>

<mosaic_0001>
#map = affine_map<(d0, d1) -> (0, 0, 0)>
#map1 = affine_map<(d0, d1) -> (0, 0)>
module attributes {stable_mosaic.version = 14 : i64} {
  func.func @emb_kernel(%arg0: i32, %arg1: i32, %arg2: memref<32x50x128xi32, #tpu.memory_space<hbm>>, %arg3: memref<1000000x64xf32, #tpu.memory_space<hbm>>, %arg4: memref<204800x64xf32, #tpu.memory_space<hbm>>, %arg5: memref<50x128xi32, #tpu.memory_space<vmem>>, %arg6: memref<640x64xf32, #tpu.memory_space<vmem>>, %arg7: memref<640x64xf32, #tpu.memory_space<vmem>>, %arg8: memref<!tpu.dma_semaphore, #tpu.memory_space<semaphore_mem>>, %arg9: memref<!tpu.dma_semaphore, #tpu.memory_space<semaphore_mem>>, %arg10: memref<!tpu.dma_semaphore, #tpu.memory_space<semaphore_mem>>, %arg11: memref<!tpu.dma_semaphore, #tpu.memory_space<semaphore_mem>>) attributes {dimension_semantics = [#tpu.dimension_semantics<core_parallel>, #tpu.dimension_semantics<subcore_parallel>], iteration_bounds = array<i64: 2, 16>, scalar_prefetch = 0 : i64, scratch_operands = 7 : i64, tpu.core_type = #tpu.core_type<sc_vector_subcore>, window_params = [{transform_indices = #map}, {transform_indices = #map1}, {transform_indices = #map1}]} {
    %mul3A = arith.constant 2 : i32
    %mul3A_0 = arith.muli %arg1, %mul3A : i32
    %add3A = arith.addi %mul3A_0, %arg0 : i32
    %mul3A_1 = arith.constant 6400 : i32
    %mul3A_2 = arith.muli %add3A, %mul3A_1 : i32
    "tpu.region"() ({
      %run_scoped3A = tpu.sem_alloc : memref<!tpu.dma_semaphore, #tpu.memory_space<semaphore_mem>>
      %dma_start3A_117 = arith.constant 0 : i32
      %dma_start3A_118 = arith.constant 0 : i32
      %dma_start3A_119 = tpu.memref_slice %arg2[%add3A, %dma_start3A_117, %dma_start3A_118] : memref<32x50x128xi32, #tpu.memory_space<hbm>> -> memref<1x50x128xi32, #tpu.memory_space<hbm>>
      %dma_start3A_120 = tpu.memref_squeeze %dma_start3A_119 : memref<1x50x128xi32, #tpu.memory_space<hbm>> -> memref<50x128xi32, #tpu.memory_space<hbm>>
      %dma_start3A_121 = arith.constant 0 : i32
      %dma_start3A_122 = arith.constant 0 : i32
      %dma_start3A_123 = tpu.memref_slice %arg2[%add3A, %dma_start3A_121, %dma_start3A_122] : memref<32x50x128xi32, #tpu.memory_space<hbm>> -> memref<1x50x128xi32, #tpu.memory_space<hbm>>
      %dma_start3A_124 = tpu.memref_squeeze %dma_start3A_123 : memref<1x50x128xi32, #tpu.memory_space<hbm>> -> memref<50x128xi32, #tpu.memory_space<hbm>>
      tpu.enqueue_dma source(%dma_start3A_124 : memref<50x128xi32, #tpu.memory_space<hbm>>) target(%arg5 : memref<50x128xi32, #tpu.memory_space<vmem>>) target_semaphore(%run_scoped3A : memref<!tpu.dma_semaphore, #tpu.memory_space<semaphore_mem>>)
      %dma_wait3A_125 = arith.constant 0 : i32
      %dma_wait3A_126 = arith.constant 0 : i32
      %dma_wait3A_127 = tpu.memref_slice %arg2[%add3A, %dma_wait3A_125, %dma_wait3A_126] : memref<32x50x128xi32, #tpu.memory_space<hbm>> -> memref<1x50x128xi32, #tpu.memory_space<hbm>>
      %dma_wait3A_128 = tpu.memref_squeeze %dma_wait3A_127 : memref<1x50x128xi32, #tpu.memory_space<hbm>> -> memref<50x128xi32, #tpu.memory_space<hbm>>
      %dma_wait3A_129 = arith.constant 0 : i32
      %dma_wait3A_130 = arith.constant 0 : i32
      %dma_wait3A_131 = tpu.memref_slice %arg2[%add3A, %dma_wait3A_129, %dma_wait3A_130] : memref<32x50x128xi32, #tpu.memory_space<hbm>> -> memref<1x50x128xi32, #tpu.memory_space<hbm>>
      %dma_wait3A_132 = tpu.memref_squeeze %dma_wait3A_131 : memref<1x50x128xi32, #tpu.memory_space<hbm>> -> memref<50x128xi32, #tpu.memory_space<hbm>>
      tpu.wait_dma2 semaphore(%run_scoped3A : memref<!tpu.dma_semaphore, #tpu.memory_space<semaphore_mem>>) src(%dma_wait3A_132 : memref<50x128xi32, #tpu.memory_space<hbm>>) dst(%arg5 : memref<50x128xi32, #tpu.memory_space<vmem>>)
      tpu.yield
    }) : () -> ()
    %dma_start3A = arith.constant 0 : i32
    %dma_start3A_3 = arith.constant 0 : i32
    %dma_start3A_4 = arith.constant 0 : i32
    %dma_start3A_5 = tpu.memref_slice %arg6[%dma_start3A_3, %dma_start3A_4] : memref<640x64xf32, #tpu.memory_space<vmem>> -> memref<128x64xf32, #tpu.memory_space<vmem>>
    %dma_start3A_6 = arith.constant 0 : i32
    %dma_start3A_7 = tpu.memref_slice %arg5[%dma_start3A, %dma_start3A_6] : memref<50x128xi32, #tpu.memory_space<vmem>> -> memref<1x128xi32, #tpu.memory_space<vmem>>
    %dma_start3A_8 = tpu.memref_squeeze %dma_start3A_7 : memref<1x128xi32, #tpu.memory_space<vmem>> -> memref<128xi32, #tpu.memory_space<vmem>>
    %dma_start3A_9 = arith.constant 0 : i32
    %dma_start3A_10 = arith.constant 0 : i32
    %dma_start3A_11 = tpu.memref_slice %arg3[%dma_start3A_9, %dma_start3A_10] : memref<1000000x64xf32, #tpu.memory_space<hbm>> -> memref<1000000x64xf32, #tpu.memory_space<hbm>>
    tpu.enqueue_indirect_dma source(%dma_start3A_11 : memref<1000000x64xf32, #tpu.memory_space<hbm>>) target(%dma_start3A_5 : memref<128x64xf32, #tpu.memory_space<vmem>>) offsets(%dma_start3A_8 : memref<128xi32, #tpu.memory_space<vmem>>) semaphore(%arg8 : memref<!tpu.dma_semaphore, #tpu.memory_space<semaphore_mem>>)
    %dma_start3A_12 = arith.constant 1 : i32
    %dma_start3A_13 = arith.constant 128 : i32
    %dma_start3A_14 = arith.constant 0 : i32
    %dma_start3A_15 = tpu.memref_slice %arg6[%dma_start3A_13, %dma_start3A_14] : memref<640x64xf32, #tpu.memory_space<vmem>> -> memref<128x64xf32, #tpu.memory_space<vmem>>
    %dma_start3A_16 = arith.constant 0 : i32
    %dma_start3A_17 = tpu.memref_slice %arg5[%dma_start3A_12, %dma_start3A_16] : memref<50x128xi32, #tpu.memory_space<vmem>> -> memref<1x128xi32, #tpu.memory_space<vmem>>
    %dma_start3A_18 = tpu.memref_squeeze %dma_start3A_17 : memref<1x128xi32, #tpu.memory_space<vmem>> -> memref<128xi32, #tpu.memory_space<vmem>>
    %dma_start3A_19 = arith.constant 0 : i32
    %dma_start3A_20 = arith.constant 0 : i32
    %dma_start3A_21 = tpu.memref_slice %arg3[%dma_start3A_19, %dma_start3A_20] : memref<1000000x64xf32, #tpu.memory_space<hbm>> -> memref<1000000x64xf32, #tpu.memory_space<hbm>>
    tpu.enqueue_indirect_dma source(%dma_start3A_21 : memref<1000000x64xf32, #tpu.memory_space<hbm>>) target(%dma_start3A_15 : memref<128x64xf32, #tpu.memory_space<vmem>>) offsets(%dma_start3A_18 : memref<128xi32, #tpu.memory_space<vmem>>) semaphore(%arg8 : memref<!tpu.dma_semaphore, #tpu.memory_space<semaphore_mem>>)
    %dma_start3A_22 = arith.constant 2 : i32
    %dma_start3A_23 = arith.constant 256 : i32
    %dma_start3A_24 = arith.constant 0 : i32
    %dma_start3A_25 = tpu.memref_slice %arg6[%dma_start3A_23, %dma_start3A_24] : memref<640x64xf32, #tpu.memory_space<vmem>> -> memref<128x64xf32, #tpu.memory_space<vmem>>
    %dma_start3A_26 = arith.constant 0 : i32
    %dma_start3A_27 = tpu.memref_slice %arg5[%dma_start3A_22, %dma_start3A_26] : memref<50x128xi32, #tpu.memory_space<vmem>> -> memref<1x128xi32, #tpu.memory_space<vmem>>
    %dma_start3A_28 = tpu.memref_squeeze %dma_start3A_27 : memref<1x128xi32, #tpu.memory_space<vmem>> -> memref<128xi32, #tpu.memory_space<vmem>>
    %dma_start3A_29 = arith.constant 0 : i32
    %dma_start3A_30 = arith.constant 0 : i32
    %dma_start3A_31 = tpu.memref_slice %arg3[%dma_start3A_29, %dma_start3A_30] : memref<1000000x64xf32, #tpu.memory_space<hbm>> -> memref<1000000x64xf32, #tpu.memory_space<hbm>>
    tpu.enqueue_indirect_dma source(%dma_start3A_31 : memref<1000000x64xf32, #tpu.memory_space<hbm>>) target(%dma_start3A_25 : memref<128x64xf32, #tpu.memory_space<vmem>>) offsets(%dma_start3A_28 : memref<128xi32, #tpu.memory_space<vmem>>) semaphore(%arg8 : memref<!tpu.dma_semaphore, #tpu.memory_space<semaphore_mem>>)
    %dma_start3A_32 = arith.constant 3 : i32
    %dma_start3A_33 = arith.constant 384 : i32
    %dma_start3A_34 = arith.constant 0 : i32
    %dma_start3A_35 = tpu.memref_slice %arg6[%dma_start3A_33, %dma_start3A_34] : memref<640x64xf32, #tpu.memory_space<vmem>> -> memref<128x64xf32, #tpu.memory_space<vmem>>
    %dma_start3A_36 = arith.constant 0 : i32
    %dma_start3A_37 = tpu.memref_slice %arg5[%dma_start3A_32, %dma_start3A_36] : memref<50x128xi32, #tpu.memory_space<vmem>> -> memref<1x128xi32, #tpu.memory_space<vmem>>
    %dma_start3A_38 = tpu.memref_squeeze %dma_start3A_37 : memref<1x128xi32, #tpu.memory_space<vmem>> -> memref<128xi32, #tpu.memory_space<vmem>>
    %dma_start3A_39 = arith.constant 0 : i32
    %dma_start3A_40 = arith.constant 0 : i32
    %dma_start3A_41 = tpu.memref_slice %arg3[%dma_start3A_39, %dma_start3A_40] : memref<1000000x64xf32, #tpu.memory_space<hbm>> -> memref<1000000x64xf32, #tpu.memory_space<hbm>>
    tpu.enqueue_indirect_dma source(%dma_start3A_41 : memref<1000000x64xf32, #tpu.memory_space<hbm>>) target(%dma_start3A_35 : memref<128x64xf32, #tpu.memory_space<vmem>>) offsets(%dma_start3A_38 : memref<128xi32, #tpu.memory_space<vmem>>) semaphore(%arg8 : memref<!tpu.dma_semaphore, #tpu.memory_space<semaphore_mem>>)
    %dma_start3A_42 = arith.constant 4 : i32
    %dma_start3A_43 = arith.constant 512 : i32
    %dma_start3A_44 = arith.constant 0 : i32
    %dma_start3A_45 = tpu.memref_slice %arg6[%dma_start3A_43, %dma_start3A_44] : memref<640x64xf32, #tpu.memory_space<vmem>> -> memref<128x64xf32, #tpu.memory_space<vmem>>
    %dma_start3A_46 = arith.constant 0 : i32
    %dma_start3A_47 = tpu.memref_slice %arg5[%dma_start3A_42, %dma_start3A_46] : memref<50x128xi32, #tpu.memory_space<vmem>> -> memref<1x128xi32, #tpu.memory_space<vmem>>
    %dma_start3A_48 = tpu.memref_squeeze %dma_start3A_47 : memref<1x128xi32, #tpu.memory_space<vmem>> -> memref<128xi32, #tpu.memory_space<vmem>>
    %dma_start3A_49 = arith.constant 0 : i32
    %dma_start3A_50 = arith.constant 0 : i32
    %dma_start3A_51 = tpu.memref_slice %arg3[%dma_start3A_49, %dma_start3A_50] : memref<1000000x64xf32, #tpu.memory_space<hbm>> -> memref<1000000x64xf32, #tpu.memory_space<hbm>>
    tpu.enqueue_indirect_dma source(%dma_start3A_51 : memref<1000000x64xf32, #tpu.memory_space<hbm>>) target(%dma_start3A_45 : memref<128x64xf32, #tpu.memory_space<vmem>>) offsets(%dma_start3A_48 : memref<128xi32, #tpu.memory_space<vmem>>) semaphore(%arg8 : memref<!tpu.dma_semaphore, #tpu.memory_space<semaphore_mem>>)
    %dma_start3A_52 = arith.constant 5 : i32
    %dma_start3A_53 = arith.constant 0 : i32
    %dma_start3A_54 = arith.constant 0 : i32
    %dma_start3A_55 = tpu.memref_slice %arg7[%dma_start3A_53, %dma_start3A_54] : memref<640x64xf32, #tpu.memory_space<vmem>> -> memref<128x64xf32, #tpu.memory_space<vmem>>
    %dma_start3A_56 = arith.constant 0 : i32
    %dma_start3A_57 = tpu.memref_slice %arg5[%dma_start3A_52, %dma_start3A_56] : memref<50x128xi32, #tpu.memory_space<vmem>> -> memref<1x128xi32, #tpu.memory_space<vmem>>
    %dma_start3A_58 = tpu.memref_squeeze %dma_start3A_57 : memref<1x128xi32, #tpu.memory_space<vmem>> -> memref<128xi32, #tpu.memory_space<vmem>>
    %dma_start3A_59 = arith.constant 0 : i32
    %dma_start3A_60 = arith.constant 0 : i32
    %dma_start3A_61 = tpu.memref_slice %arg3[%dma_start3A_59, %dma_start3A_60] : memref<1000000x64xf32, #tpu.memory_space<hbm>> -> memref<1000000x64xf32, #tpu.memory_space<hbm>>
    tpu.enqueue_indirect_dma source(%dma_start3A_61 : memref<1000000x64xf32, #tpu.memory_space<hbm>>) target(%dma_start3A_55 : memref<128x64xf32, #tpu.memory_space<vmem>>) offsets(%dma_start3A_58 : memref<128xi32, #tpu.memory_space<vmem>>) semaphore(%arg9 : memref<!tpu.dma_semaphore, #tpu.memory_space<semaphore_mem>>)
    %dma_start3A_62 = arith.constant 6 : i32
    %dma_start3A_63 = arith.constant 128 : i32
    %dma_start3A_64 = arith.constant 0 : i32
    %dma_start3A_65 = tpu.memref_slice %arg7[%dma_start3A_63, %dma_start3A_64] : memref<640x64xf32, #tpu.memory_space<vmem>> -> memref<128x64xf32, #tpu.memory_space<vmem>>
    %dma_start3A_66 = arith.constant 0 : i32
    %dma_start3A_67 = tpu.memref_slice %arg5[%dma_start3A_62, %dma_start3A_66] : memref<50x128xi32, #tpu.memory_space<vmem>> -> memref<1x128xi32, #tpu.memory_space<vmem>>
    %dma_start3A_68 = tpu.memref_squeeze %dma_start3A_67 : memref<1x128xi32, #tpu.memory_space<vmem>> -> memref<128xi32, #tpu.memory_space<vmem>>
    %dma_start3A_69 = arith.constant 0 : i32
    %dma_start3A_70 = arith.constant 0 : i32
    %dma_start3A_71 = tpu.memref_slice %arg3[%dma_start3A_69, %dma_start3A_70] : memref<1000000x64xf32, #tpu.memory_space<hbm>> -> memref<1000000x64xf32, #tpu.memory_space<hbm>>
    tpu.enqueue_indirect_dma source(%dma_start3A_71 : memref<1000000x64xf32, #tpu.memory_space<hbm>>) target(%dma_start3A_65 : memref<128x64xf32, #tpu.memory_space<vmem>>) offsets(%dma_start3A_68 : memref<128xi32, #tpu.memory_space<vmem>>) semaphore(%arg9 : memref<!tpu.dma_semaphore, #tpu.memory_space<semaphore_mem>>)
    %dma_start3A_72 = arith.constant 7 : i32
    %dma_start3A_73 = arith.constant 256 : i32
    %dma_start3A_74 = arith.constant 0 : i32
    %dma_start3A_75 = tpu.memref_slice %arg7[%dma_start3A_73, %dma_start3A_74] : memref<640x64xf32, #tpu.memory_space<vmem>> -> memref<128x64xf32, #tpu.memory_space<vmem>>
    %dma_start3A_76 = arith.constant 0 : i32
    %dma_start3A_77 = tpu.memref_slice %arg5[%dma_start3A_72, %dma_start3A_76] : memref<50x128xi32, #tpu.memory_space<vmem>> -> memref<1x128xi32, #tpu.memory_space<vmem>>
    %dma_start3A_78 = tpu.memref_squeeze %dma_start3A_77 : memref<1x128xi32, #tpu.memory_space<vmem>> -> memref<128xi32, #tpu.memory_space<vmem>>
    %dma_start3A_79 = arith.constant 0 : i32
    %dma_start3A_80 = arith.constant 0 : i32
    %dma_start3A_81 = tpu.memref_slice %arg3[%dma_start3A_79, %dma_start3A_80] : memref<1000000x64xf32, #tpu.memory_space<hbm>> -> memref<1000000x64xf32, #tpu.memory_space<hbm>>
    tpu.enqueue_indirect_dma source(%dma_start3A_81 : memref<1000000x64xf32, #tpu.memory_space<hbm>>) target(%dma_start3A_75 : memref<128x64xf32, #tpu.memory_space<vmem>>) offsets(%dma_start3A_78 : memref<128xi32, #tpu.memory_space<vmem>>) semaphore(%arg9 : memref<!tpu.dma_semaphore, #tpu.memory_space<semaphore_mem>>)
    %dma_start3A_82 = arith.constant 8 : i32
    %dma_start3A_83 = arith.constant 384 : i32
    %dma_start3A_84 = arith.constant 0 : i32
    %dma_start3A_85 = tpu.memref_slice %arg7[%dma_start3A_83, %dma_start3A_84] : memref<640x64xf32, #tpu.memory_space<vmem>> -> memref<128x64xf32, #tpu.memory_space<vmem>>
    %dma_start3A_86 = arith.constant 0 : i32
    %dma_start3A_87 = tpu.memref_slice %arg5[%dma_start3A_82, %dma_start3A_86] : memref<50x128xi32, #tpu.memory_space<vmem>> -> memref<1x128xi32, #tpu.memory_space<vmem>>
    %dma_start3A_88 = tpu.memref_squeeze %dma_start3A_87 : memref<1x128xi32, #tpu.memory_space<vmem>> -> memref<128xi32, #tpu.memory_space<vmem>>
    %dma_start3A_89 = arith.constant 0 : i32
    %dma_start3A_90 = arith.constant 0 : i32
    %dma_start3A_91 = tpu.memref_slice %arg3[%dma_start3A_89, %dma_start3A_90] : memref<1000000x64xf32, #tpu.memory_space<hbm>> -> memref<1000000x64xf32, #tpu.memory_space<hbm>>
    tpu.enqueue_indirect_dma source(%dma_start3A_91 : memref<1000000x64xf32, #tpu.memory_space<hbm>>) target(%dma_start3A_85 : memref<128x64xf32, #tpu.memory_space<vmem>>) offsets(%dma_start3A_88 : memref<128xi32, #tpu.memory_space<vmem>>) semaphore(%arg9 : memref<!tpu.dma_semaphore, #tpu.memory_space<semaphore_mem>>)
    %dma_start3A_92 = arith.constant 9 : i32
    %dma_start3A_93 = arith.constant 512 : i32
    %dma_start3A_94 = arith.constant 0 : i32
    %dma_start3A_95 = tpu.memref_slice %arg7[%dma_start3A_93, %dma_start3A_94] : memref<640x64xf32, #tpu.memory_space<vmem>> -> memref<128x64xf32, #tpu.memory_space<vmem>>
    %dma_start3A_96 = arith.constant 0 : i32
    %dma_start3A_97 = tpu.memref_slice %arg5[%dma_start3A_92, %dma_start3A_96] : memref<50x128xi32, #tpu.memory_space<vmem>> -> memref<1x128xi32, #tpu.memory_space<vmem>>
    %dma_start3A_98 = tpu.memref_squeeze %dma_start3A_97 : memref<1x128xi32, #tpu.memory_space<vmem>> -> memref<128xi32, #tpu.memory_space<vmem>>
    %dma_start3A_99 = arith.constant 0 : i32
    %dma_start3A_100 = arith.constant 0 : i32
    %dma_start3A_101 = tpu.memref_slice %arg3[%dma_start3A_99, %dma_start3A_100] : memref<1000000x64xf32, #tpu.memory_space<hbm>> -> memref<1000000x64xf32, #tpu.memory_space<hbm>>
    tpu.enqueue_indirect_dma source(%dma_start3A_101 : memref<1000000x64xf32, #tpu.memory_space<hbm>>) target(%dma_start3A_95 : memref<128x64xf32, #tpu.memory_space<vmem>>) offsets(%dma_start3A_98 : memref<128xi32, #tpu.memory_space<vmem>>) semaphore(%arg9 : memref<!tpu.dma_semaphore, #tpu.memory_space<semaphore_mem>>)
    %scan3A = arith.constant 0 : i32
    %scan3A_102 = arith.constant 5 : i32
    %scan3A_103 = arith.addi %scan3A, %scan3A_102 : i32
    %scan3A_104 = arith.constant 1 : i32
    scf.for %scan3A_117 = %scan3A to %scan3A_103 step %scan3A_104  : i32 {
      %mul3A_118 = arith.constant 2 : i32
      %mul3A_119 = arith.muli %scan3A_117, %mul3A_118 : i32
      %add3A_120 = arith.constant 0 : i32
      %add3A_121 = arith.addi %mul3A_119, %add3A_120 : i32
      %mul3A_122 = arith.constant 5 : i32
      %mul3A_123 = arith.muli %add3A_121, %mul3A_122 : i32
      %add3A_124 = arith.constant 0 : i32
      %add3A_125 = arith.addi %mul3A_123, %add3A_124 : i32
      %dma_wait3A_126 = arith.constant 0 : i32
      %dma_wait3A_127 = arith.constant 0 : i32
      %dma_wait3A_128 = tpu.memref_slice %arg6[%dma_wait3A_126, %dma_wait3A_127] : memref<640x64xf32, #tpu.memory_space<vmem>> -> memref<128x64xf32, #tpu.memory_space<vmem>>
      %dma_wait3A_129 = arith.constant 0 : i32
      %dma_wait3A_130 = tpu.memref_slice %arg5[%add3A_125, %dma_wait3A_129] : memref<50x128xi32, #tpu.memory_space<vmem>> -> memref<1x128xi32, #tpu.memory_space<vmem>>
      %dma_wait3A_131 = tpu.memref_squeeze %dma_wait3A_130 : memref<1x128xi32, #tpu.memory_space<vmem>> -> memref<128xi32, #tpu.memory_space<vmem>>
      %dma_wait3A_132 = arith.constant 0 : i32
      %dma_wait3A_133 = arith.constant 0 : i32
      %dma_wait3A_134 = tpu.memref_slice %arg3[%dma_wait3A_132, %dma_wait3A_133] : memref<1000000x64xf32, #tpu.memory_space<hbm>> -> memref<1000000x64xf32, #tpu.memory_space<hbm>>
      tpu.wait_indirect_dma semaphore(%arg8 : memref<!tpu.dma_semaphore, #tpu.memory_space<semaphore_mem>>) src(%dma_wait3A_134 : memref<1000000x64xf32, #tpu.memory_space<hbm>>) dst(%dma_wait3A_128 : memref<128x64xf32, #tpu.memory_space<vmem>>)
      %mul3A_135 = arith.constant 5 : i32
      %mul3A_136 = arith.muli %add3A_121, %mul3A_135 : i32
      %add3A_137 = arith.constant 1 : i32
      %add3A_138 = arith.addi %mul3A_136, %add3A_137 : i32
      %dma_wait3A_139 = arith.constant 128 : i32
      %dma_wait3A_140 = arith.constant 0 : i32
      %dma_wait3A_141 = tpu.memref_slice %arg6[%dma_wait3A_139, %dma_wait3A_140] : memref<640x64xf32, #tpu.memory_space<vmem>> -> memref<128x64xf32, #tpu.memory_space<vmem>>
      %dma_wait3A_142 = arith.constant 0 : i32
      %dma_wait3A_143 = tpu.memref_slice %arg5[%add3A_138, %dma_wait3A_142] : memref<50x128xi32, #tpu.memory_space<vmem>> -> memref<1x128xi32, #tpu.memory_space<vmem>>
      %dma_wait3A_144 = tpu.memref_squeeze %dma_wait3A_143 : memref<1x128xi32, #tpu.memory_space<vmem>> -> memref<128xi32, #tpu.memory_space<vmem>>
      %dma_wait3A_145 = arith.constant 0 : i32
      %dma_wait3A_146 = arith.constant 0 : i32
      %dma_wait3A_147 = tpu.memref_slice %arg3[%dma_wait3A_145, %dma_wait3A_146] : memref<1000000x64xf32, #tpu.memory_space<hbm>> -> memref<1000000x64xf32, #tpu.memory_space<hbm>>
      tpu.wait_indirect_dma semaphore(%arg8 : memref<!tpu.dma_semaphore, #tpu.memory_space<semaphore_mem>>) src(%dma_wait3A_147 : memref<1000000x64xf32, #tpu.memory_space<hbm>>) dst(%dma_wait3A_141 : memref<128x64xf32, #tpu.memory_space<vmem>>)
      %mul3A_148 = arith.constant 5 : i32
      %mul3A_149 = arith.muli %add3A_121, %mul3A_148 : i32
      %add3A_150 = arith.constant 2 : i32
      %add3A_151 = arith.addi %mul3A_149, %add3A_150 : i32
      %dma_wait3A_152 = arith.constant 256 : i32
      %dma_wait3A_153 = arith.constant 0 : i32
      %dma_wait3A_154 = tpu.memref_slice %arg6[%dma_wait3A_152, %dma_wait3A_153] : memref<640x64xf32, #tpu.memory_space<vmem>> -> memref<128x64xf32, #tpu.memory_space<vmem>>
      %dma_wait3A_155 = arith.constant 0 : i32
      %dma_wait3A_156 = tpu.memref_slice %arg5[%add3A_151, %dma_wait3A_155] : memref<50x128xi32, #tpu.memory_space<vmem>> -> memref<1x128xi32, #tpu.memory_space<vmem>>
      %dma_wait3A_157 = tpu.memref_squeeze %dma_wait3A_156 : memref<1x128xi32, #tpu.memory_space<vmem>> -> memref<128xi32, #tpu.memory_space<vmem>>
      %dma_wait3A_158 = arith.constant 0 : i32
      %dma_wait3A_159 = arith.constant 0 : i32
      %dma_wait3A_160 = tpu.memref_slice %arg3[%dma_wait3A_158, %dma_wait3A_159] : memref<1000000x64xf32, #tpu.memory_space<hbm>> -> memref<1000000x64xf32, #tpu.memory_space<hbm>>
      tpu.wait_indirect_dma semaphore(%arg8 : memref<!tpu.dma_semaphore, #tpu.memory_space<semaphore_mem>>) src(%dma_wait3A_160 : memref<1000000x64xf32, #tpu.memory_space<hbm>>) dst(%dma_wait3A_154 : memref<128x64xf32, #tpu.memory_space<vmem>>)
      %mul3A_161 = arith.constant 5 : i32
      %mul3A_162 = arith.muli %add3A_121, %mul3A_161 : i32
      %add3A_163 = arith.constant 3 : i32
      %add3A_164 = arith.addi %mul3A_162, %add3A_163 : i32
      %dma_wait3A_165 = arith.constant 384 : i32
      %dma_wait3A_166 = arith.constant 0 : i32
      %dma_wait3A_167 = tpu.memref_slice %arg6[%dma_wait3A_165, %dma_wait3A_166] : memref<640x64xf32, #tpu.memory_space<vmem>> -> memref<128x64xf32, #tpu.memory_space<vmem>>
      %dma_wait3A_168 = arith.constant 0 : i32
      %dma_wait3A_169 = tpu.memref_slice %arg5[%add3A_164, %dma_wait3A_168] : memref<50x128xi32, #tpu.memory_space<vmem>> -> memref<1x128xi32, #tpu.memory_space<vmem>>
      %dma_wait3A_170 = tpu.memref_squeeze %dma_wait3A_169 : memref<1x128xi32, #tpu.memory_space<vmem>> -> memref<128xi32, #tpu.memory_space<vmem>>
      %dma_wait3A_171 = arith.constant 0 : i32
      %dma_wait3A_172 = arith.constant 0 : i32
      %dma_wait3A_173 = tpu.memref_slice %arg3[%dma_wait3A_171, %dma_wait3A_172] : memref<1000000x64xf32, #tpu.memory_space<hbm>> -> memref<1000000x64xf32, #tpu.memory_space<hbm>>
      tpu.wait_indirect_dma semaphore(%arg8 : memref<!tpu.dma_semaphore, #tpu.memory_space<semaphore_mem>>) src(%dma_wait3A_173 : memref<1000000x64xf32, #tpu.memory_space<hbm>>) dst(%dma_wait3A_167 : memref<128x64xf32, #tpu.memory_space<vmem>>)
      %mul3A_174 = arith.constant 5 : i32
      %mul3A_175 = arith.muli %add3A_121, %mul3A_174 : i32
      %add3A_176 = arith.constant 4 : i32
      %add3A_177 = arith.addi %mul3A_175, %add3A_176 : i32
      %dma_wait3A_178 = arith.constant 512 : i32
      %dma_wait3A_179 = arith.constant 0 : i32
      %dma_wait3A_180 = tpu.memref_slice %arg6[%dma_wait3A_178, %dma_wait3A_179] : memref<640x64xf32, #tpu.memory_space<vmem>> -> memref<128x64xf32, #tpu.memory_space<vmem>>
      %dma_wait3A_181 = arith.constant 0 : i32
      %dma_wait3A_182 = tpu.memref_slice %arg5[%add3A_177, %dma_wait3A_181] : memref<50x128xi32, #tpu.memory_space<vmem>> -> memref<1x128xi32, #tpu.memory_space<vmem>>
      %dma_wait3A_183 = tpu.memref_squeeze %dma_wait3A_182 : memref<1x128xi32, #tpu.memory_space<vmem>> -> memref<128xi32, #tpu.memory_space<vmem>>
      %dma_wait3A_184 = arith.constant 0 : i32
      %dma_wait3A_185 = arith.constant 0 : i32
      %dma_wait3A_186 = tpu.memref_slice %arg3[%dma_wait3A_184, %dma_wait3A_185] : memref<1000000x64xf32, #tpu.memory_space<hbm>> -> memref<1000000x64xf32, #tpu.memory_space<hbm>>
      tpu.wait_indirect_dma semaphore(%arg8 : memref<!tpu.dma_semaphore, #tpu.memory_space<semaphore_mem>>) src(%dma_wait3A_186 : memref<1000000x64xf32, #tpu.memory_space<hbm>>) dst(%dma_wait3A_180 : memref<128x64xf32, #tpu.memory_space<vmem>>)
      %mul3A_187 = arith.constant 640 : i32
      %mul3A_188 = arith.muli %add3A_121, %mul3A_187 : i32
      %add3A_189 = arith.addi %mul3A_2, %mul3A_188 : i32
      %dma_start3A_190 = arith.constant 0 : i32
      %dma_start3A_191 = tpu.memref_slice %arg4[%add3A_189, %dma_start3A_190] : memref<204800x64xf32, #tpu.memory_space<hbm>> -> memref<640x64xf32, #tpu.memory_space<hbm>>
      %dma_start3A_192 = arith.constant 0 : i32
      %dma_start3A_193 = tpu.memref_slice %arg4[%add3A_189, %dma_start3A_192] : memref<204800x64xf32, #tpu.memory_space<hbm>> -> memref<640x64xf32, #tpu.memory_space<hbm>>
      tpu.enqueue_dma source(%arg6 : memref<640x64xf32, #tpu.memory_space<vmem>>) target(%dma_start3A_193 : memref<640x64xf32, #tpu.memory_space<hbm>>) target_semaphore(%arg10 : memref<!tpu.dma_semaphore, #tpu.memory_space<semaphore_mem>>)
      %add3A_194 = arith.constant 2 : i32
      %add3A_195 = arith.addi %add3A_121, %add3A_194 : i32
      %lt3A = arith.constant 10 : i32
      %lt3A_196 = arith.cmpi slt, %add3A_195, %lt3A : i32
      %convert_element_type3A = arith.extui %lt3A_196 : i1 to i32
      %cond3A = arith.constant 0 : i32
      %cond3A_197 = arith.cmpi ne, %convert_element_type3A, %cond3A : i32
      scf.if %cond3A_197 {
        %mul3A_281 = arith.constant 640 : i32
        %mul3A_282 = arith.muli %add3A_121, %mul3A_281 : i32
        %add3A_283 = arith.addi %mul3A_2, %mul3A_282 : i32
        %dma_wait3A_284 = arith.constant 0 : i32
        %dma_wait3A_285 = tpu.memref_slice %arg4[%add3A_283, %dma_wait3A_284] : memref<204800x64xf32, #tpu.memory_space<hbm>> -> memref<640x64xf32, #tpu.memory_space<hbm>>
        %dma_wait3A_286 = arith.constant 0 : i32
        %dma_wait3A_287 = tpu.memref_slice %arg4[%add3A_283, %dma_wait3A_286] : memref<204800x64xf32, #tpu.memory_space<hbm>> -> memref<640x64xf32, #tpu.memory_space<hbm>>
        tpu.wait_dma2 semaphore(%arg10 : memref<!tpu.dma_semaphore, #tpu.memory_space<semaphore_mem>>) src(%arg6 : memref<640x64xf32, #tpu.memory_space<vmem>>) dst(%dma_wait3A_287 : memref<640x64xf32, #tpu.memory_space<hbm>>)
        %mul3A_288 = arith.constant 5 : i32
        %mul3A_289 = arith.muli %add3A_195, %mul3A_288 : i32
        %add3A_290 = arith.constant 0 : i32
        %add3A_291 = arith.addi %mul3A_289, %add3A_290 : i32
        %dma_start3A_292 = arith.constant 0 : i32
        %dma_start3A_293 = arith.constant 0 : i32
        %dma_start3A_294 = tpu.memref_slice %arg6[%dma_start3A_292, %dma_start3A_293] : memref<640x64xf32, #tpu.memory_space<vmem>> -> memref<128x64xf32, #tpu.memory_space<vmem>>
        %dma_start3A_295 = arith.constant 0 : i32
        %dma_start3A_296 = tpu.memref_slice %arg5[%add3A_291, %dma_start3A_295] : memref<50x128xi32, #tpu.memory_space<vmem>> -> memref<1x128xi32, #tpu.memory_space<vmem>>
        %dma_start3A_297 = tpu.memref_squeeze %dma_start3A_296 : memref<1x128xi32, #tpu.memory_space<vmem>> -> memref<128xi32, #tpu.memory_space<vmem>>
        %dma_start3A_298 = arith.constant 0 : i32
        %dma_start3A_299 = arith.constant 0 : i32
        %dma_start3A_300 = tpu.memref_slice %arg3[%dma_start3A_298, %dma_start3A_299] : memref<1000000x64xf32, #tpu.memory_space<hbm>> -> memref<1000000x64xf32, #tpu.memory_space<hbm>>
        tpu.enqueue_indirect_dma source(%dma_start3A_300 : memref<1000000x64xf32, #tpu.memory_space<hbm>>) target(%dma_start3A_294 : memref<128x64xf32, #tpu.memory_space<vmem>>) offsets(%dma_start3A_297 : memref<128xi32, #tpu.memory_space<vmem>>) semaphore(%arg8 : memref<!tpu.dma_semaphore, #tpu.memory_space<semaphore_mem>>)
        %mul3A_301 = arith.constant 5 : i32
        %mul3A_302 = arith.muli %add3A_195, %mul3A_301 : i32
        %add3A_303 = arith.constant 1 : i32
        %add3A_304 = arith.addi %mul3A_302, %add3A_303 : i32
        %dma_start3A_305 = arith.constant 128 : i32
        %dma_start3A_306 = arith.constant 0 : i32
        %dma_start3A_307 = tpu.memref_slice %arg6[%dma_start3A_305, %dma_start3A_306] : memref<640x64xf32, #tpu.memory_space<vmem>> -> memref<128x64xf32, #tpu.memory_space<vmem>>
        %dma_start3A_308 = arith.constant 0 : i32
        %dma_start3A_309 = tpu.memref_slice %arg5[%add3A_304, %dma_start3A_308] : memref<50x128xi32, #tpu.memory_space<vmem>> -> memref<1x128xi32, #tpu.memory_space<vmem>>
        %dma_start3A_310 = tpu.memref_squeeze %dma_start3A_309 : memref<1x128xi32, #tpu.memory_space<vmem>> -> memref<128xi32, #tpu.memory_space<vmem>>
        %dma_start3A_311 = arith.constant 0 : i32
        %dma_start3A_312 = arith.constant 0 : i32
        %dma_start3A_313 = tpu.memref_slice %arg3[%dma_start3A_311, %dma_start3A_312] : memref<1000000x64xf32, #tpu.memory_space<hbm>> -> memref<1000000x64xf32, #tpu.memory_space<hbm>>
        tpu.enqueue_indirect_dma source(%dma_start3A_313 : memref<1000000x64xf32, #tpu.memory_space<hbm>>) target(%dma_start3A_307 : memref<128x64xf32, #tpu.memory_space<vmem>>) offsets(%dma_start3A_310 : memref<128xi32, #tpu.memory_space<vmem>>) semaphore(%arg8 : memref<!tpu.dma_semaphore, #tpu.memory_space<semaphore_mem>>)
        %mul3A_314 = arith.constant 5 : i32
        %mul3A_315 = arith.muli %add3A_195, %mul3A_314 : i32
        %add3A_316 = arith.constant 2 : i32
        %add3A_317 = arith.addi %mul3A_315, %add3A_316 : i32
        %dma_start3A_318 = arith.constant 256 : i32
        %dma_start3A_319 = arith.constant 0 : i32
        %dma_start3A_320 = tpu.memref_slice %arg6[%dma_start3A_318, %dma_start3A_319] : memref<640x64xf32, #tpu.memory_space<vmem>> -> memref<128x64xf32, #tpu.memory_space<vmem>>
        %dma_start3A_321 = arith.constant 0 : i32
        %dma_start3A_322 = tpu.memref_slice %arg5[%add3A_317, %dma_start3A_321] : memref<50x128xi32, #tpu.memory_space<vmem>> -> memref<1x128xi32, #tpu.memory_space<vmem>>
        %dma_start3A_323 = tpu.memref_squeeze %dma_start3A_322 : memref<1x128xi32, #tpu.memory_space<vmem>> -> memref<128xi32, #tpu.memory_space<vmem>>
        %dma_start3A_324 = arith.constant 0 : i32
        %dma_start3A_325 = arith.constant 0 : i32
        %dma_start3A_326 = tpu.memref_slice %arg3[%dma_start3A_324, %dma_start3A_325] : memref<1000000x64xf32, #tpu.memory_space<hbm>> -> memref<1000000x64xf32, #tpu.memory_space<hbm>>
        tpu.enqueue_indirect_dma source(%dma_start3A_326 : memref<1000000x64xf32, #tpu.memory_space<hbm>>) target(%dma_start3A_320 : memref<128x64xf32, #tpu.memory_space<vmem>>) offsets(%dma_start3A_323 : memref<128xi32, #tpu.memory_space<vmem>>) semaphore(%arg8 : memref<!tpu.dma_semaphore, #tpu.memory_space<semaphore_mem>>)
        %mul3A_327 = arith.constant 5 : i32
        %mul3A_328 = arith.muli %add3A_195, %mul3A_327 : i32
        %add3A_329 = arith.constant 3 : i32
        %add3A_330 = arith.addi %mul3A_328, %add3A_329 : i32
        %dma_start3A_331 = arith.constant 384 : i32
        %dma_start3A_332 = arith.constant 0 : i32
        %dma_start3A_333 = tpu.memref_slice %arg6[%dma_start3A_331, %dma_start3A_332] : memref<640x64xf32, #tpu.memory_space<vmem>> -> memref<128x64xf32, #tpu.memory_space<vmem>>
        %dma_start3A_334 = arith.constant 0 : i32
        %dma_start3A_335 = tpu.memref_slice %arg5[%add3A_330, %dma_start3A_334] : memref<50x128xi32, #tpu.memory_space<vmem>> -> memref<1x128xi32, #tpu.memory_space<vmem>>
        %dma_start3A_336 = tpu.memref_squeeze %dma_start3A_335 : memref<1x128xi32, #tpu.memory_space<vmem>> -> memref<128xi32, #tpu.memory_space<vmem>>
        %dma_start3A_337 = arith.constant 0 : i32
        %dma_start3A_338 = arith.constant 0 : i32
        %dma_start3A_339 = tpu.memref_slice %arg3[%dma_start3A_337, %dma_start3A_338] : memref<1000000x64xf32, #tpu.memory_space<hbm>> -> memref<1000000x64xf32, #tpu.memory_space<hbm>>
        tpu.enqueue_indirect_dma source(%dma_start3A_339 : memref<1000000x64xf32, #tpu.memory_space<hbm>>) target(%dma_start3A_333 : memref<128x64xf32, #tpu.memory_space<vmem>>) offsets(%dma_start3A_336 : memref<128xi32, #tpu.memory_space<vmem>>) semaphore(%arg8 : memref<!tpu.dma_semaphore, #tpu.memory_space<semaphore_mem>>)
        %mul3A_340 = arith.constant 5 : i32
        %mul3A_341 = arith.muli %add3A_195, %mul3A_340 : i32
        %add3A_342 = arith.constant 4 : i32
        %add3A_343 = arith.addi %mul3A_341, %add3A_342 : i32
        %dma_start3A_344 = arith.constant 512 : i32
        %dma_start3A_345 = arith.constant 0 : i32
        %dma_start3A_346 = tpu.memref_slice %arg6[%dma_start3A_344, %dma_start3A_345] : memref<640x64xf32, #tpu.memory_space<vmem>> -> memref<128x64xf32, #tpu.memory_space<vmem>>
        %dma_start3A_347 = arith.constant 0 : i32
        %dma_start3A_348 = tpu.memref_slice %arg5[%add3A_343, %dma_start3A_347] : memref<50x128xi32, #tpu.memory_space<vmem>> -> memref<1x128xi32, #tpu.memory_space<vmem>>
        %dma_start3A_349 = tpu.memref_squeeze %dma_start3A_348 : memref<1x128xi32, #tpu.memory_space<vmem>> -> memref<128xi32, #tpu.memory_space<vmem>>
        %dma_start3A_350 = arith.constant 0 : i32
        %dma_start3A_351 = arith.constant 0 : i32
        %dma_start3A_352 = tpu.memref_slice %arg3[%dma_start3A_350, %dma_start3A_351] : memref<1000000x64xf32, #tpu.memory_space<hbm>> -> memref<1000000x64xf32, #tpu.memory_space<hbm>>
        tpu.enqueue_indirect_dma source(%dma_start3A_352 : memref<1000000x64xf32, #tpu.memory_space<hbm>>) target(%dma_start3A_346 : memref<128x64xf32, #tpu.memory_space<vmem>>) offsets(%dma_start3A_349 : memref<128xi32, #tpu.memory_space<vmem>>) semaphore(%arg8 : memref<!tpu.dma_semaphore, #tpu.memory_space<semaphore_mem>>)
      } else {
      }
      %mul3A_198 = arith.constant 2 : i32
      %mul3A_199 = arith.muli %scan3A_117, %mul3A_198 : i32
      %add3A_200 = arith.constant 1 : i32
      %add3A_201 = arith.addi %mul3A_199, %add3A_200 : i32
      %mul3A_202 = arith.constant 5 : i32
      %mul3A_203 = arith.muli %add3A_201, %mul3A_202 : i32
      %add3A_204 = arith.constant 0 : i32
      %add3A_205 = arith.addi %mul3A_203, %add3A_204 : i32
      %dma_wait3A_206 = arith.constant 0 : i32
      %dma_wait3A_207 = arith.constant 0 : i32
      %dma_wait3A_208 = tpu.memref_slice %arg7[%dma_wait3A_206, %dma_wait3A_207] : memref<640x64xf32, #tpu.memory_space<vmem>> -> memref<128x64xf32, #tpu.memory_space<vmem>>
      %dma_wait3A_209 = arith.constant 0 : i32
      %dma_wait3A_210 = tpu.memref_slice %arg5[%add3A_205, %dma_wait3A_209] : memref<50x128xi32, #tpu.memory_space<vmem>> -> memref<1x128xi32, #tpu.memory_space<vmem>>
      %dma_wait3A_211 = tpu.memref_squeeze %dma_wait3A_210 : memref<1x128xi32, #tpu.memory_space<vmem>> -> memref<128xi32, #tpu.memory_space<vmem>>
      %dma_wait3A_212 = arith.constant 0 : i32
      %dma_wait3A_213 = arith.constant 0 : i32
      %dma_wait3A_214 = tpu.memref_slice %arg3[%dma_wait3A_212, %dma_wait3A_213] : memref<1000000x64xf32, #tpu.memory_space<hbm>> -> memref<1000000x64xf32, #tpu.memory_space<hbm>>
      tpu.wait_indirect_dma semaphore(%arg9 : memref<!tpu.dma_semaphore, #tpu.memory_space<semaphore_mem>>) src(%dma_wait3A_214 : memref<1000000x64xf32, #tpu.memory_space<hbm>>) dst(%dma_wait3A_208 : memref<128x64xf32, #tpu.memory_space<vmem>>)
      %mul3A_215 = arith.constant 5 : i32
      %mul3A_216 = arith.muli %add3A_201, %mul3A_215 : i32
      %add3A_217 = arith.constant 1 : i32
      %add3A_218 = arith.addi %mul3A_216, %add3A_217 : i32
      %dma_wait3A_219 = arith.constant 128 : i32
      %dma_wait3A_220 = arith.constant 0 : i32
      %dma_wait3A_221 = tpu.memref_slice %arg7[%dma_wait3A_219, %dma_wait3A_220] : memref<640x64xf32, #tpu.memory_space<vmem>> -> memref<128x64xf32, #tpu.memory_space<vmem>>
      %dma_wait3A_222 = arith.constant 0 : i32
      %dma_wait3A_223 = tpu.memref_slice %arg5[%add3A_218, %dma_wait3A_222] : memref<50x128xi32, #tpu.memory_space<vmem>> -> memref<1x128xi32, #tpu.memory_space<vmem>>
      %dma_wait3A_224 = tpu.memref_squeeze %dma_wait3A_223 : memref<1x128xi32, #tpu.memory_space<vmem>> -> memref<128xi32, #tpu.memory_space<vmem>>
      %dma_wait3A_225 = arith.constant 0 : i32
      %dma_wait3A_226 = arith.constant 0 : i32
      %dma_wait3A_227 = tpu.memref_slice %arg3[%dma_wait3A_225, %dma_wait3A_226] : memref<1000000x64xf32, #tpu.memory_space<hbm>> -> memref<1000000x64xf32, #tpu.memory_space<hbm>>
      tpu.wait_indirect_dma semaphore(%arg9 : memref<!tpu.dma_semaphore, #tpu.memory_space<semaphore_mem>>) src(%dma_wait3A_227 : memref<1000000x64xf32, #tpu.memory_space<hbm>>) dst(%dma_wait3A_221 : memref<128x64xf32, #tpu.memory_space<vmem>>)
      %mul3A_228 = arith.constant 5 : i32
      %mul3A_229 = arith.muli %add3A_201, %mul3A_228 : i32
      %add3A_230 = arith.constant 2 : i32
      %add3A_231 = arith.addi %mul3A_229, %add3A_230 : i32
      %dma_wait3A_232 = arith.constant 256 : i32
      %dma_wait3A_233 = arith.constant 0 : i32
      %dma_wait3A_234 = tpu.memref_slice %arg7[%dma_wait3A_232, %dma_wait3A_233] : memref<640x64xf32, #tpu.memory_space<vmem>> -> memref<128x64xf32, #tpu.memory_space<vmem>>
      %dma_wait3A_235 = arith.constant 0 : i32
      %dma_wait3A_236 = tpu.memref_slice %arg5[%add3A_231, %dma_wait3A_235] : memref<50x128xi32, #tpu.memory_space<vmem>> -> memref<1x128xi32, #tpu.memory_space<vmem>>
      %dma_wait3A_237 = tpu.memref_squeeze %dma_wait3A_236 : memref<1x128xi32, #tpu.memory_space<vmem>> -> memref<128xi32, #tpu.memory_space<vmem>>
      %dma_wait3A_238 = arith.constant 0 : i32
      %dma_wait3A_239 = arith.constant 0 : i32
      %dma_wait3A_240 = tpu.memref_slice %arg3[%dma_wait3A_238, %dma_wait3A_239] : memref<1000000x64xf32, #tpu.memory_space<hbm>> -> memref<1000000x64xf32, #tpu.memory_space<hbm>>
      tpu.wait_indirect_dma semaphore(%arg9 : memref<!tpu.dma_semaphore, #tpu.memory_space<semaphore_mem>>) src(%dma_wait3A_240 : memref<1000000x64xf32, #tpu.memory_space<hbm>>) dst(%dma_wait3A_234 : memref<128x64xf32, #tpu.memory_space<vmem>>)
      %mul3A_241 = arith.constant 5 : i32
      %mul3A_242 = arith.muli %add3A_201, %mul3A_241 : i32
      %add3A_243 = arith.constant 3 : i32
      %add3A_244 = arith.addi %mul3A_242, %add3A_243 : i32
      %dma_wait3A_245 = arith.constant 384 : i32
      %dma_wait3A_246 = arith.constant 0 : i32
      %dma_wait3A_247 = tpu.memref_slice %arg7[%dma_wait3A_245, %dma_wait3A_246] : memref<640x64xf32, #tpu.memory_space<vmem>> -> memref<128x64xf32, #tpu.memory_space<vmem>>
      %dma_wait3A_248 = arith.constant 0 : i32
      %dma_wait3A_249 = tpu.memref_slice %arg5[%add3A_244, %dma_wait3A_248] : memref<50x128xi32, #tpu.memory_space<vmem>> -> memref<1x128xi32, #tpu.memory_space<vmem>>
      %dma_wait3A_250 = tpu.memref_squeeze %dma_wait3A_249 : memref<1x128xi32, #tpu.memory_space<vmem>> -> memref<128xi32, #tpu.memory_space<vmem>>
      %dma_wait3A_251 = arith.constant 0 : i32
      %dma_wait3A_252 = arith.constant 0 : i32
      %dma_wait3A_253 = tpu.memref_slice %arg3[%dma_wait3A_251, %dma_wait3A_252] : memref<1000000x64xf32, #tpu.memory_space<hbm>> -> memref<1000000x64xf32, #tpu.memory_space<hbm>>
      tpu.wait_indirect_dma semaphore(%arg9 : memref<!tpu.dma_semaphore, #tpu.memory_space<semaphore_mem>>) src(%dma_wait3A_253 : memref<1000000x64xf32, #tpu.memory_space<hbm>>) dst(%dma_wait3A_247 : memref<128x64xf32, #tpu.memory_space<vmem>>)
      %mul3A_254 = arith.constant 5 : i32
      %mul3A_255 = arith.muli %add3A_201, %mul3A_254 : i32
      %add3A_256 = arith.constant 4 : i32
      %add3A_257 = arith.addi %mul3A_255, %add3A_256 : i32
      %dma_wait3A_258 = arith.constant 512 : i32
      %dma_wait3A_259 = arith.constant 0 : i32
      %dma_wait3A_260 = tpu.memref_slice %arg7[%dma_wait3A_258, %dma_wait3A_259] : memref<640x64xf32, #tpu.memory_space<vmem>> -> memref<128x64xf32, #tpu.memory_space<vmem>>
      %dma_wait3A_261 = arith.constant 0 : i32
      %dma_wait3A_262 = tpu.memref_slice %arg5[%add3A_257, %dma_wait3A_261] : memref<50x128xi32, #tpu.memory_space<vmem>> -> memref<1x128xi32, #tpu.memory_space<vmem>>
      %dma_wait3A_263 = tpu.memref_squeeze %dma_wait3A_262 : memref<1x128xi32, #tpu.memory_space<vmem>> -> memref<128xi32, #tpu.memory_space<vmem>>
      %dma_wait3A_264 = arith.constant 0 : i32
      %dma_wait3A_265 = arith.constant 0 : i32
      %dma_wait3A_266 = tpu.memref_slice %arg3[%dma_wait3A_264, %dma_wait3A_265] : memref<1000000x64xf32, #tpu.memory_space<hbm>> -> memref<1000000x64xf32, #tpu.memory_space<hbm>>
      tpu.wait_indirect_dma semaphore(%arg9 : memref<!tpu.dma_semaphore, #tpu.memory_space<semaphore_mem>>) src(%dma_wait3A_266 : memref<1000000x64xf32, #tpu.memory_space<hbm>>) dst(%dma_wait3A_260 : memref<128x64xf32, #tpu.memory_space<vmem>>)
      %mul3A_267 = arith.constant 640 : i32
      %mul3A_268 = arith.muli %add3A_201, %mul3A_267 : i32
      %add3A_269 = arith.addi %mul3A_2, %mul3A_268 : i32
      %dma_start3A_270 = arith.constant 0 : i32
      %dma_start3A_271 = tpu.memref_slice %arg4[%add3A_269, %dma_start3A_270] : memref<204800x64xf32, #tpu.memory_space<hbm>> -> memref<640x64xf32, #tpu.memory_space<hbm>>
      %dma_start3A_272 = arith.constant 0 : i32
      %dma_start3A_273 = tpu.memref_slice %arg4[%add3A_269, %dma_start3A_272] : memref<204800x64xf32, #tpu.memory_space<hbm>> -> memref<640x64xf32, #tpu.memory_space<hbm>>
      tpu.enqueue_dma source(%arg7 : memref<640x64xf32, #tpu.memory_space<vmem>>) target(%dma_start3A_273 : memref<640x64xf32, #tpu.memory_space<hbm>>) target_semaphore(%arg11 : memref<!tpu.dma_semaphore, #tpu.memory_space<semaphore_mem>>)
      %add3A_274 = arith.constant 2 : i32
      %add3A_275 = arith.addi %add3A_201, %add3A_274 : i32
      %lt3A_276 = arith.constant 10 : i32
      %lt3A_277 = arith.cmpi slt, %add3A_275, %lt3A_276 : i32
      %convert_element_type3A_278 = arith.extui %lt3A_277 : i1 to i32
      %cond3A_279 = arith.constant 0 : i32
      %cond3A_280 = arith.cmpi ne, %convert_element_type3A_278, %cond3A_279 : i32
      scf.if %cond3A_280 {
        %mul3A_281 = arith.constant 640 : i32
        %mul3A_282 = arith.muli %add3A_201, %mul3A_281 : i32
        %add3A_283 = arith.addi %mul3A_2, %mul3A_282 : i32
        %dma_wait3A_284 = arith.constant 0 : i32
        %dma_wait3A_285 = tpu.memref_slice %arg4[%add3A_283, %dma_wait3A_284] : memref<204800x64xf32, #tpu.memory_space<hbm>> -> memref<640x64xf32, #tpu.memory_space<hbm>>
        %dma_wait3A_286 = arith.constant 0 : i32
        %dma_wait3A_287 = tpu.memref_slice %arg4[%add3A_283, %dma_wait3A_286] : memref<204800x64xf32, #tpu.memory_space<hbm>> -> memref<640x64xf32, #tpu.memory_space<hbm>>
        tpu.wait_dma2 semaphore(%arg11 : memref<!tpu.dma_semaphore, #tpu.memory_space<semaphore_mem>>) src(%arg7 : memref<640x64xf32, #tpu.memory_space<vmem>>) dst(%dma_wait3A_287 : memref<640x64xf32, #tpu.memory_space<hbm>>)
        %mul3A_288 = arith.constant 5 : i32
        %mul3A_289 = arith.muli %add3A_275, %mul3A_288 : i32
        %add3A_290 = arith.constant 0 : i32
        %add3A_291 = arith.addi %mul3A_289, %add3A_290 : i32
        %dma_start3A_292 = arith.constant 0 : i32
        %dma_start3A_293 = arith.constant 0 : i32
        %dma_start3A_294 = tpu.memref_slice %arg7[%dma_start3A_292, %dma_start3A_293] : memref<640x64xf32, #tpu.memory_space<vmem>> -> memref<128x64xf32, #tpu.memory_space<vmem>>
        %dma_start3A_295 = arith.constant 0 : i32
        %dma_start3A_296 = tpu.memref_slice %arg5[%add3A_291, %dma_start3A_295] : memref<50x128xi32, #tpu.memory_space<vmem>> -> memref<1x128xi32, #tpu.memory_space<vmem>>
        %dma_start3A_297 = tpu.memref_squeeze %dma_start3A_296 : memref<1x128xi32, #tpu.memory_space<vmem>> -> memref<128xi32, #tpu.memory_space<vmem>>
        %dma_start3A_298 = arith.constant 0 : i32
        %dma_start3A_299 = arith.constant 0 : i32
        %dma_start3A_300 = tpu.memref_slice %arg3[%dma_start3A_298, %dma_start3A_299] : memref<1000000x64xf32, #tpu.memory_space<hbm>> -> memref<1000000x64xf32, #tpu.memory_space<hbm>>
        tpu.enqueue_indirect_dma source(%dma_start3A_300 : memref<1000000x64xf32, #tpu.memory_space<hbm>>) target(%dma_start3A_294 : memref<128x64xf32, #tpu.memory_space<vmem>>) offsets(%dma_start3A_297 : memref<128xi32, #tpu.memory_space<vmem>>) semaphore(%arg9 : memref<!tpu.dma_semaphore, #tpu.memory_space<semaphore_mem>>)
        %mul3A_301 = arith.constant 5 : i32
        %mul3A_302 = arith.muli %add3A_275, %mul3A_301 : i32
        %add3A_303 = arith.constant 1 : i32
        %add3A_304 = arith.addi %mul3A_302, %add3A_303 : i32
        %dma_start3A_305 = arith.constant 128 : i32
        %dma_start3A_306 = arith.constant 0 : i32
        %dma_start3A_307 = tpu.memref_slice %arg7[%dma_start3A_305, %dma_start3A_306] : memref<640x64xf32, #tpu.memory_space<vmem>> -> memref<128x64xf32, #tpu.memory_space<vmem>>
        %dma_start3A_308 = arith.constant 0 : i32
        %dma_start3A_309 = tpu.memref_slice %arg5[%add3A_304, %dma_start3A_308] : memref<50x128xi32, #tpu.memory_space<vmem>> -> memref<1x128xi32, #tpu.memory_space<vmem>>
        %dma_start3A_310 = tpu.memref_squeeze %dma_start3A_309 : memref<1x128xi32, #tpu.memory_space<vmem>> -> memref<128xi32, #tpu.memory_space<vmem>>
        %dma_start3A_311 = arith.constant 0 : i32
        %dma_start3A_312 = arith.constant 0 : i32
        %dma_start3A_313 = tpu.memref_slice %arg3[%dma_start3A_311, %dma_start3A_312] : memref<1000000x64xf32, #tpu.memory_space<hbm>> -> memref<1000000x64xf32, #tpu.memory_space<hbm>>
        tpu.enqueue_indirect_dma source(%dma_start3A_313 : memref<1000000x64xf32, #tpu.memory_space<hbm>>) target(%dma_start3A_307 : memref<128x64xf32, #tpu.memory_space<vmem>>) offsets(%dma_start3A_310 : memref<128xi32, #tpu.memory_space<vmem>>) semaphore(%arg9 : memref<!tpu.dma_semaphore, #tpu.memory_space<semaphore_mem>>)
        %mul3A_314 = arith.constant 5 : i32
        %mul3A_315 = arith.muli %add3A_275, %mul3A_314 : i32
        %add3A_316 = arith.constant 2 : i32
        %add3A_317 = arith.addi %mul3A_315, %add3A_316 : i32
        %dma_start3A_318 = arith.constant 256 : i32
        %dma_start3A_319 = arith.constant 0 : i32
        %dma_start3A_320 = tpu.memref_slice %arg7[%dma_start3A_318, %dma_start3A_319] : memref<640x64xf32, #tpu.memory_space<vmem>> -> memref<128x64xf32, #tpu.memory_space<vmem>>
        %dma_start3A_321 = arith.constant 0 : i32
        %dma_start3A_322 = tpu.memref_slice %arg5[%add3A_317, %dma_start3A_321] : memref<50x128xi32, #tpu.memory_space<vmem>> -> memref<1x128xi32, #tpu.memory_space<vmem>>
        %dma_start3A_323 = tpu.memref_squeeze %dma_start3A_322 : memref<1x128xi32, #tpu.memory_space<vmem>> -> memref<128xi32, #tpu.memory_space<vmem>>
        %dma_start3A_324 = arith.constant 0 : i32
        %dma_start3A_325 = arith.constant 0 : i32
        %dma_start3A_326 = tpu.memref_slice %arg3[%dma_start3A_324, %dma_start3A_325] : memref<1000000x64xf32, #tpu.memory_space<hbm>> -> memref<1000000x64xf32, #tpu.memory_space<hbm>>
        tpu.enqueue_indirect_dma source(%dma_start3A_326 : memref<1000000x64xf32, #tpu.memory_space<hbm>>) target(%dma_start3A_320 : memref<128x64xf32, #tpu.memory_space<vmem>>) offsets(%dma_start3A_323 : memref<128xi32, #tpu.memory_space<vmem>>) semaphore(%arg9 : memref<!tpu.dma_semaphore, #tpu.memory_space<semaphore_mem>>)
        %mul3A_327 = arith.constant 5 : i32
        %mul3A_328 = arith.muli %add3A_275, %mul3A_327 : i32
        %add3A_329 = arith.constant 3 : i32
        %add3A_330 = arith.addi %mul3A_328, %add3A_329 : i32
        %dma_start3A_331 = arith.constant 384 : i32
        %dma_start3A_332 = arith.constant 0 : i32
        %dma_start3A_333 = tpu.memref_slice %arg7[%dma_start3A_331, %dma_start3A_332] : memref<640x64xf32, #tpu.memory_space<vmem>> -> memref<128x64xf32, #tpu.memory_space<vmem>>
        %dma_start3A_334 = arith.constant 0 : i32
        %dma_start3A_335 = tpu.memref_slice %arg5[%add3A_330, %dma_start3A_334] : memref<50x128xi32, #tpu.memory_space<vmem>> -> memref<1x128xi32, #tpu.memory_space<vmem>>
        %dma_start3A_336 = tpu.memref_squeeze %dma_start3A_335 : memref<1x128xi32, #tpu.memory_space<vmem>> -> memref<128xi32, #tpu.memory_space<vmem>>
        %dma_start3A_337 = arith.constant 0 : i32
        %dma_start3A_338 = arith.constant 0 : i32
        %dma_start3A_339 = tpu.memref_slice %arg3[%dma_start3A_337, %dma_start3A_338] : memref<1000000x64xf32, #tpu.memory_space<hbm>> -> memref<1000000x64xf32, #tpu.memory_space<hbm>>
        tpu.enqueue_indirect_dma source(%dma_start3A_339 : memref<1000000x64xf32, #tpu.memory_space<hbm>>) target(%dma_start3A_333 : memref<128x64xf32, #tpu.memory_space<vmem>>) offsets(%dma_start3A_336 : memref<128xi32, #tpu.memory_space<vmem>>) semaphore(%arg9 : memref<!tpu.dma_semaphore, #tpu.memory_space<semaphore_mem>>)
        %mul3A_340 = arith.constant 5 : i32
        %mul3A_341 = arith.muli %add3A_275, %mul3A_340 : i32
        %add3A_342 = arith.constant 4 : i32
        %add3A_343 = arith.addi %mul3A_341, %add3A_342 : i32
        %dma_start3A_344 = arith.constant 512 : i32
        %dma_start3A_345 = arith.constant 0 : i32
        %dma_start3A_346 = tpu.memref_slice %arg7[%dma_start3A_344, %dma_start3A_345] : memref<640x64xf32, #tpu.memory_space<vmem>> -> memref<128x64xf32, #tpu.memory_space<vmem>>
        %dma_start3A_347 = arith.constant 0 : i32
        %dma_start3A_348 = tpu.memref_slice %arg5[%add3A_343, %dma_start3A_347] : memref<50x128xi32, #tpu.memory_space<vmem>> -> memref<1x128xi32, #tpu.memory_space<vmem>>
        %dma_start3A_349 = tpu.memref_squeeze %dma_start3A_348 : memref<1x128xi32, #tpu.memory_space<vmem>> -> memref<128xi32, #tpu.memory_space<vmem>>
        %dma_start3A_350 = arith.constant 0 : i32
        %dma_start3A_351 = arith.constant 0 : i32
        %dma_start3A_352 = tpu.memref_slice %arg3[%dma_start3A_350, %dma_start3A_351] : memref<1000000x64xf32, #tpu.memory_space<hbm>> -> memref<1000000x64xf32, #tpu.memory_space<hbm>>
        tpu.enqueue_indirect_dma source(%dma_start3A_352 : memref<1000000x64xf32, #tpu.memory_space<hbm>>) target(%dma_start3A_346 : memref<128x64xf32, #tpu.memory_space<vmem>>) offsets(%dma_start3A_349 : memref<128xi32, #tpu.memory_space<vmem>>) semaphore(%arg9 : memref<!tpu.dma_semaphore, #tpu.memory_space<semaphore_mem>>)
      } else {
      }
    }
    %scan3A_105 = arith.constant 5 : i32
    %add3A_106 = arith.constant 5120 : i32
    %add3A_107 = arith.addi %mul3A_2, %add3A_106 : i32
    %dma_wait3A = arith.constant 0 : i32
    %dma_wait3A_108 = tpu.memref_slice %arg4[%add3A_107, %dma_wait3A] : memref<204800x64xf32, #tpu.memory_space<hbm>> -> memref<640x64xf32, #tpu.memory_space<hbm>>
    %dma_wait3A_109 = arith.constant 0 : i32
    %dma_wait3A_110 = tpu.memref_slice %arg4[%add3A_107, %dma_wait3A_109] : memref<204800x64xf32, #tpu.memory_space<hbm>> -> memref<640x64xf32, #tpu.memory_space<hbm>>
    tpu.wait_dma2 semaphore(%arg10 : memref<!tpu.dma_semaphore, #tpu.memory_space<semaphore_mem>>) src(%arg6 : memref<640x64xf32, #tpu.memory_space<vmem>>) dst(%dma_wait3A_110 : memref<640x64xf32, #tpu.memory_space<hbm>>)
    %add3A_111 = arith.constant 5760 : i32
    %add3A_112 = arith.addi %mul3A_2, %add3A_111 : i32
    %dma_wait3A_113 = arith.constant 0 : i32
    %dma_wait3A_114 = tpu.memref_slice %arg4[%add3A_112, %dma_wait3A_113] : memref<204800x64xf32, #tpu.memory_space<hbm>> -> memref<640x64xf32, #tpu.memory_space<hbm>>
    %dma_wait3A_115 = arith.constant 0 : i32
    %dma_wait3A_116 = tpu.memref_slice %arg4[%add3A_112, %dma_wait3A_115] : memref<204800x64xf32, #tpu.memory_space<hbm>> -> memref<640x64xf32, #tpu.memory_space<hbm>>
    tpu.wait_dma2 semaphore(%arg11 : memref<!tpu.dma_semaphore, #tpu.memory_space<semaphore_mem>>) src(%arg7 : memref<640x64xf32, #tpu.memory_space<vmem>>) dst(%dma_wait3A_116 : memref<640x64xf32, #tpu.memory_space<hbm>>)
    return
  }
}

</mosaic_0001>

<sc_bundles>
// kernel: kernel.3.cloned.1.call-start
scs
__scs_entry_jumppad:
0x0: {  	(pc) =	sbr.rel $0x88, $3  }
0x1: {  	(tag) =	ssettag $0x0;
	lr =	simm.s32 $0x1  }
0x2: {  	[smem:$0x3F9F] =	sst lr;
	_ =	strace $0xD0000000  }
0x3: {  	_ = 	snop  }
0x4: {  	_ = 	snop  }
0x5: {  	_ = 	snop  }
0x6: {  	_ = 	snop  }
0x7: {  	_ = 	snop  }
__scs_overlays_trampoline_lowered:
0x8: {  	[smem:$0x3FAE] =	sst s0  }
0x9: {  	[smem:$0x3FAF] =	sst s1  }
0xa: {  	[smem:$0x3FB0] =	sst s2  }
0xb: {  	[smem:$0x3FB1] =	sst s3  }
0xc: {  	[smem:$0x3FB2] =	sst s4  }
0xd: {  	[smem:$0x3FB3] =	sst s5  }
0xe: {  	[smem:$0x3FB4] =	sst s6  }
0xf: {  	[smem:$0x3FB5] =	sst s7  }
0x10: {  	[smem:$0x3FB6] =	sst s8  }
0x11: {  	[smem:$0x3FB7] =	sst s9;
	s0 =	simm.s32 @!p0 $0x0  }
0x12: {  	s1 =	sld [smem:$0x3F9D];
	s0 =	simm.s32 @p0 $0x1  }
0x13: {  	[smem:$0x3FB8] =	sst s0;
	s0 =	simm.s32 @!p1 $0x0  }
0x14: {  	s2 =	sld [smem:$0x3F9C];
	s0 =	simm.s32 @p1 $0x1  }
0x15: {  	[smem:$0x3FB9] =	sst s0;
	s0 =	simm.s32 @!p2 $0x0  }
0x16: {  	s3 =	sld [smem:$0x3FDB];
	s0 =	simm.s32 @p2 $0x1  }
0x17: {  	s4 =	simm.s32 $0x1BF5;
	[smem:$0x3FBB] =	sst s0  }
0x18: {  	s0 =	sld [smem:$0x3F9E];
	_ =	swait.ge [sflag:s4], $0x0  }
0x19: {  	s7 =	sld [smem:$0x3F9F]  }
0x1a: {  	s8 =	sadd.s32 $0xFFFFE003, lr  }
0x1b: {  	s9 =	sadd.s32 $0xFFFFFEF7, lr;
	s5 =	simm.s32 $0xFFFFFFFF;
	p2 =	slt.u32 s8, $0xFFFFF086  }
0x1c: {  	p1 =	slt.u32 s9, $0xF7A;
	s5 =	simm.s32 @!p2 $0x0  }
0x1d: {  	s5 =	simm.s32 @p1 $0x1;
	p0 =	seq.s32 s7, s2  }
0x1e: {  	s7 =	smul.u32 @!p0 $0xF7A, s2;
	p2 =	seq.s32 @!p0 s5, $0x0  }
0x1f: {  	s9 =	smul.u32 $0xF7A, s1;
	s8 =	simm.s32 @!p0 $0x1BF5;
	p2 =	por !p2, p0  }
0x20: {  	[sflag:s8] =	ssyncset.s32 @!p0 $0xFFFFF086;
	s6 =	sadd.s32 @!p0 s3, s7;
	s7 =	simm.s32 @!p0 $0x108  }
0x21: {  	s3 =	sadd.s32 s3, s9;
	s6 =	sadd.s32 @!p0 $0x88, s6;
	s7 =	simm.s32 @p2 $0x1082  }
0x22: {  	[simem:s7], [sflag:s8] =	dma.local @!p0 [hbm:s6], $0xF7A  }
0x23: {  	s9 =	sor.u32 $0xD0000000, s2;
	s6 =	simm.s32 $0x108;
	_ =	swait.ge @!p0 [sflag:s8], $0x0  }
0x24: {  	s3 =	sadd.s32 $0x88, s3;
	s6 =	simm.s32 @!p1 $0x1082;
	[sflag:s4] =	ssyncset.s32 $0xFFFFF086  }
0x25: {  	[simem:s6], [sflag:s4] =	dma.local [hbm:s3], $0xF7A  }
0x26: {  	[smem:$0x3F9F] =	sst s1;
	(tag) =	ssettag s2;
	_ =	strace s9  }
0x27: {  	s1 =	sld [smem:$0x3FAF]  }
0x28: {  	s2 =	sld [smem:$0x3FB0]  }
0x29: {  	s4 =	sld [smem:$0x3FB2]  }
0x2a: {  	p0 =	seq.s32 s5, $0x0;
	s5 =	sld [smem:$0x3FB3]  }
0x2b: {  	s6 =	sld [smem:$0x3FB4]  }
0x2c: {  	s7 =	sld [smem:$0x3FB5]  }
0x2d: {  	s3 =	simm.s32 $0x108;
	s8 =	sld [smem:$0x3FB6]  }
0x2e: {  	s3 =	simm.s32 @!p0 $0x1082;
	s9 =	sld [smem:$0x3FB7]  }
0x2f: {  	lr =	sadd.s32 s0, s3;
	s0 =	sld [smem:$0x3FAE]  }
0x30: {  	s3 =	sld [smem:$0x3FB1]  }
0x31: {  	[smem:$0x3FBA] =	sst s10  }
0x32: {  	s10 =	sld [smem:$0x3FB8];
	_ =	sdelay $0x3  }
0x33: {  	p0 =	seq.s32 s10, $0x1;
	s10 =	sld [smem:$0x3FBA];
	_ =	sdelay $0x3  }
0x34: {  	[smem:$0x3FBA] =	sst s10  }
0x35: {  	s10 =	sld [smem:$0x3FB9];
	_ =	sdelay $0x3  }
0x36: {  	p1 =	seq.s32 s10, $0x1;
	s10 =	sld [smem:$0x3FBA];
	_ =	sdelay $0x3  }
0x37: {  	[smem:$0x3FBA] =	sst s10  }
0x38: {  	s10 =	sld [smem:$0x3FBB]  }
0x39: {  	_ = 	snop;
	(pc) =	sbr.ind lr, $3  }
0x3a: {  	_ = 	snop  }
0x3b: {  	_ = 	snop  }
0x3c: {  	p2 =	seq.s32 s10, $0x1;
	s10 =	sld [smem:$0x3FBA]  }
0x3d: {  	_ =	shalt  }
0x3e: {  	_ =	shalt  }
0x3f: {  	_ =	shalt  }
0x40: {  	_ =	shalt  }
0x41: {  	_ =	shalt  }
0x42: {  	_ =	shalt  }
0x43: {  	_ =	shalt  }
0x44: {  	_ =	shalt  }
0x45: {  	_ =	shalt  }
0x46: {  	_ =	shalt  }
0x47: {  	_ =	shalt  }
0x48: {  	_ =	shalt  }
0x49: {  	_ =	shalt  }
0x4a: {  	_ =	shalt  }
0x4b: {  	_ =	shalt  }
0x4c: {  	_ =	shalt  }
0x4d: {  	_ =	shalt  }
0x4e: {  	_ =	shalt  }
0x4f: {  	_ =	shalt  }
0x50: {  	_ =	shalt  }
0x51: {  	_ =	shalt  }
0x52: {  	_ =	shalt  }
0x53: {  	_ =	shalt  }
0x54: {  	_ =	shalt  }
0x55: {  	_ =	shalt  }
0x56: {  	_ =	shalt  }
0x57: {  	_ =	shalt  }
0x58: {  	_ =	shalt  }
0x59: {  	_ =	shalt  }
0x5a: {  	_ =	shalt  }
0x5b: {  	_ =	shalt  }
0x5c: {  	_ =	shalt  }
0x5d: {  	_ =	shalt  }
0x5e: {  	_ =	shalt  }
0x5f: {  	_ =	shalt  }
0x60: {  	_ =	shalt  }
0x61: {  	_ =	shalt  }
0x62: {  	_ =	shalt  }
0x63: {  	_ =	shalt  }
0x64: {  	_ =	shalt  }
0x65: {  	_ =	shalt  }
0x66: {  	_ =	shalt  }
0x67: {  	_ =	shalt  }
0x68: {  	_ =	shalt  }
0x69: {  	_ =	shalt  }
0x6a: {  	_ =	shalt  }
0x6b: {  	_ =	shalt  }
0x6c: {  	_ =	shalt  }
0x6d: {  	_ =	shalt  }
0x6e: {  	_ =	shalt  }
0x6f: {  	_ =	shalt  }
0x70: {  	_ =	shalt  }
0x71: {  	_ =	shalt  }
0x72: {  	_ =	shalt  }
0x73: {  	_ =	shalt  }
0x74: {  	_ =	shalt  }
0x75: {  	_ =	shalt  }
0x76: {  	_ =	shalt  }
0x77: {  	_ =	shalt  }
0x78: {  	_ =	shalt  }
0x79: {  	_ =	shalt  }
0x7a: {  	_ =	shalt  }
0x7b: {  	_ =	shalt  }
0x7c: {  	_ =	shalt  }
0x7d: {  	_ =	shalt  }
0x7e: {  	_ =	shalt  }
0x7f: {  	_ =	shalt  }
0x80: {  	_ =	shalt  }
0x81: {  	_ =	shalt  }
0x82: {  	_ =	shalt  }
0x83: {  	_ =	shalt  }
0x84: {  	_ =	shalt  }
0x85: {  	_ =	shalt  }
0x86: {  	_ =	shalt  }
0x87: {  	_ =	shalt  }
.Lfunc_end0:
.L_simem_size_0:
called_computation.1_lowered:
.L_overlay_start_0:
0x88: {  	s2 =	sld [smem:$0x3FD9]  }
0x89: {  	s3 =	sld [smem:$0x3FFE];
	_ =	sdelay $0x1  }
0x8a: {  	s1 =	srdreg.scid  }
0x8b: {  	s0 =	sand.u32 $0x1, s1  }
0x8c: {  	s17 =	sshll.u32 s0, $0xA;
	s2 =	sadd.s32 s3, s2  }
0x8d: {  	s2 =	sadd.s32 s2, s17  }
0x8e: {  	[smem:$0x3FC6] =	sst s2  }
0x8f: {  	_ = 	snop  }
0x90: {  	s2 =	sld [smem:$0x3FD0];
	(tm) =	ssettm $0x1  }
0x91: {  	s18 =	sld [smem:$0x3FFB];
	_ =	sdelay $0x3  }
0x92: {  	_ =	strace s18  }
0x93: {  	s3 =	sld [smem:$0x3FFC];
	_ =	sdelay $0x3  }
0x94: {  	_ =	strace s3  }
0x95: {  	s3 =	sld [smem:$0x3FFD];
	_ =	sdelay $0x3  }
0x96: {  	_ =	strace s3  }
0x97: {  	_ =	strace $0x8FFFFFFF  }
0x98: {  	s19 =	sld [smem:$0x3FDB];
	_ =	sdelay $0x1  }
0x99: {  	s4 =	simm.s32 $_scs_section_size  }
0x9a: {  	s5 =	simm.s32 $_size__tile_overlayer_lowered;
	s6 =	simm.s32 $_tile_overlayer_lowered  }
0x9b: {  	s22 =	simm.s32 $0x1BFF;
	s21 =	sshll.u32 s6, $0x1;
	s3 =	sadd.s32 s4, s19  }
0x9c: {  	s7 =	simm.s32 $0x0;
	s20 =	sshll.u32 s5, $0x1;
	s5 =	sadd.s32 s21, s3  }
0x9d: {  	[timem:s7], [sflag:s22] =	dma.local [hbm:s5], s20  }
0x9e: {  	_ =	swait.ge [sflag:s22], s20  }
0x9f: {  	s4 =	ssub.s32 $0x0, s20;
	[sflag:s22] =	ssyncset.done $0x0  }
0xa0: {  	[sflag:s22] =	ssyncadd.s32 s4;
	_ =	sdelay $0x1  }
0xa1: {  	s23 =	simm.s32 $0x1B8B  }
0xa2: {  	_ =	swait.ge [sflag:s23], $0x1  }
0xa3: {  	[sflag:s23] =	ssyncset.done $0x0  }
0xa4: {  	s25 =	simm.s32 $0x1B8E;
	s24 =	sld [smem:$0x3FFE];
	[sflag:s23] =	ssyncadd.s32 $0xFFFFFFFF  }
0xa5: {  	s26 =	simm.s32 $execute0_lowered;
	[smem:$0x3FD2] =	sst s25  }
0xa6: {  	s5 =	sshll.u32 s26, $0x1;
	_ =	strace $0x80000046;
	[dreg:$0x1] =	wrdreg $0xFFFFFFFF  }
0xa7: {  	s28 =	simm.s32 $_size_execute0_lowered;
	s3 =	sadd.s32 s3, s5;
	[dreg:$0x0] =	wrdreg $0x0  }
0xa8: {  	s5 =	sshll.u32 s28, $0x1;
	[dreg:$0x2] =	wrdreg s3  }
0xa9: {  	[dreg:$0x3] =	wrdreg s5  }
0xaa: {  	[dreg:$0x4] =	wrdreg $0xC0  }
0xab: {  	_ =	task [dreg:s7], $0x5FFFF  }
0xac: {  	[dreg:$0x1] =	wrdreg $0xFFFFFFFF  }
0xad: {  	[dreg:$0x0] =	wrdreg $0x60  }
0xae: {  	[dreg:$0x2] =	wrdreg s24  }
0xaf: {  	[dreg:$0x3] =	wrdreg s2  }
0xb0: {  	[dreg:$0x4] =	wrdreg $0x9  }
0xb1: {  	_ =	task.clear_ibuf [dreg:s7], $0x5FFFF;
	_ =	strace $0x90000046  }
0xb2: {  	s29 =	simm.s32 $0x9;
	_ =	strace $0x80000048  }
0xb3: {  	_ =	swait.ge [sflag:s29], $0x1  }
0xb4: {  	[sflag:s29] =	ssyncadd.s32 $0xFFFFFFFF  }
0xb5: {  	_ =	strace $0x90000048  }
0xb6: {  	_ =	sfence  }
0xb7: {  	s30 =	sld [smem:$0x0];
	_ =	sdelay $0x2  }
0xb8: {  	s31 =	sshll.u32 s1, $0xD;
	s1 =	sshrl.u32 s1, $0x2  }
0xb9: {  	s3 =	sand.u32 $0x4000, s31;
	s1 =	sadd.s32 s1, s30  }
0xba: {  	s0 =	sor.u32 s3, s0;
	s1 =	sshll.u32 s1, $0x11  }
0xbb: {  	s0 =	sor.u32 s1, s0  }
0xbc: {  	s0 =	sadd.s32 $0x8F2B, s0  }
0xbd: {  	[sflag:s0] =	ssyncadd.remote.s32 $0x1  }
0xbe: {  	_ =	sfence.sel $0xFFFF  }
0xbf: {  	[dreg:$0x0] =	wrdreg $0xFFFFFFFF;
	(pc) =	sbr.abs _section_cstart, $3  }
0xc0: {  	[dreg:$0x1] =	wrdreg $0xFFFFFFFF  }
0xc1: {  	_ =	task.clear_ibuf [dreg:s7], $0x2FFFF;
	_ =	strace $0x9FFFFFFF  }
0xc2: {  	(tm) =	ssettm $0x7FFFFFFF  }
0xc3: {  	_ =	shalt  }
tec
execute0_lowered:
.L_overlay_start_1:
0x0: {  	(tag) =	ssettag $0x1  }
0x1: {  	s0 =	rddreg [dreg:$0x0]  }
0x2: {  	s1 =	srdreg.scid;
	s11 =	stileid.u32  }
0x3: {  	s8 =	rddreg [dreg:$0x1];
	s2 =	simm.s32 $0x0;
	s12 =	simm.s32 $0x1900  }
0x4: {  	s13 =	simm.s32 $0x3900;
	s15 =	simm.s32 $0x5900;
	s17 =	simm.s32 $0x7900  }
0x5: {  	s19 =	simm.s32 $0x9900;
	s21 =	simm.s32 $0xB900;
	s28 =	simm.s32 $0x11900  }
0x6: {  	s29 =	simm.s32 $0x480;
	s30 =	simm.s32 $0x13900;
	s31 =	simm.s32 $0x1  }
0x7: {  	s14 =	simm.s32 $0x4;
	s16 =	simm.s32 $0x0;
	s7 =	smul.u32 $0x3200, s11  }
0x8: {  	s1 =	sand.u32 $0x1, s1;
	s3 =	sshll.u32 s11, $0x1;
	s25 =	smul.u32 $0x19000, s11  }
0x9: {  	[smem:$0x7FF] =	sst s2;
	s11 =	simm.s32 $0x80;
	s10 =	smul.u32 $0x1900, s1  }
0xa: {  	s3 =	sor.u32 s1, s3;
	s5 =	ssub.s32 $0x2, s1;
	s1 =	smul.u32 $0xC800, s1  }
0xb: {  	_ =	strace $0x80000047;
	s4 =	smul.u32 $0x1900, s3;
	s23 =	sshrl.u32 s5, $0x1  }
0xc: {  	s6 =	smul.u32 $0xC800, s3;
	s3 =	sadd.s32 $0xF42E00, s0;
	s5 =	ssub.s32 s5, s23  }
0xd: {  	s7 =	sadd.s32 s10, s7;
	s23 =	simm.s32 $0xD900;
	s22 =	sshrl.u32 s4, $0x3  }
0xe: {  	s5 =	smax.u32 s5, $0x1;
	s24 =	sadd.s32 s8, s6;
	s10 =	sshll.u32 s7, $0x3  }
0xf: {  	s9 =	sadd.s32 s22, s0;
	s6 =	sadd.s32 $0xA000, s24;
	s7 =	sadd.s32 $0xB400, s24  }
0x10: {  	s26 =	sadd.s32 s8, s10;
	s10 =	simm.s32 $0x5;
	s0 =	simm.s32 $0x2  }
0x11: {  	s4 =	sadd.s32 $0xA00, s9;
	s9 =	sadd.s32 s25, s8;
	s8 =	sadd.s32 $0x1400, s26  }
0x12: {  	s25 =	simm.s32 $0xF900;
	s9 =	sadd.s32 s1, s9;
	s1 =	simm.s32 $0x3  }
.LBB2_1:
0x13: {  	[tilespmem:s2], [sflag:$0x5] =	stream.linear.gather [hbm4b:s4+s2], $0x1900, $0x38;
	[tilespmem:$0x15900] =	vst v63  }
0x14: {  	_ =	swait.ge [sflag:s10], $0x1900  }
0x15: {  	[sflag:s10] =	ssyncset.done $0x0  }
0x16: {  	[sflag:s10] =	ssyncadd.s32 $0xFFFFE700  }
0x17: {  	[tilespmem:s12], [sflag:$0x1] =	stream.indirect.gather [hbm4b:s3+s11], $0x40, s2, s11, $0xb8;
	[tilespmem:$0x15900] =	vst v63  }
0x18: {  	_ = 	snop  }
0x19: {  	[tilespmem:s13], [sflag:$0x1] =	stream.indirect.gather [hbm4b:s3+s11], $0x40, s11, s11, $0xb8;
	[tilespmem:$0x15900] =	vst v63  }
0x1a: {  	s18 =	simm.s32 $0x100  }
0x1b: {  	[tilespmem:s15], [sflag:$0x1] =	stream.indirect.gather [hbm4b:s3+s11], $0x40, s18, s11, $0xb8;
	[tilespmem:$0x15900] =	vst v63  }
0x1c: {  	s22 =	simm.s32 $0x180  }
0x1d: {  	[tilespmem:s17], [sflag:$0x1] =	stream.indirect.gather [hbm4b:s3+s11], $0x40, s22, s11, $0xb8;
	[tilespmem:$0x15900] =	vst v63  }
0x1e: {  	s24 =	simm.s32 $0x200  }
0x1f: {  	[tilespmem:s19], [sflag:$0x1] =	stream.indirect.gather [hbm4b:s3+s11], $0x40, s24, s11, $0xb8;
	[tilespmem:$0x15900] =	vst v63  }
0x20: {  	s26 =	simm.s32 $0x280  }
0x21: {  	[tilespmem:s21], [sflag:$0x2] =	stream.indirect.gather [hbm4b:s3+s11], $0x40, s26, s11, $0xb8;
	[tilespmem:$0x15900] =	vst v63  }
0x22: {  	s20 =	simm.s32 $0x300  }
0x23: {  	[tilespmem:s23], [sflag:$0x2] =	stream.indirect.gather [hbm4b:s3+s11], $0x40, s20, s11, $0xb8;
	[tilespmem:$0x15900] =	vst v63  }
0x24: {  	s22 =	simm.s32 $0x380  }
0x25: {  	[tilespmem:s25], [sflag:$0x2] =	stream.indirect.gather [hbm4b:s3+s11], $0x40, s22, s11, $0xb8;
	[tilespmem:$0x15900] =	vst v63  }
0x26: {  	s24 =	simm.s32 $0x400  }
0x27: {  	[tilespmem:s28], [sflag:$0x2] =	stream.indirect.gather [hbm4b:s3+s11], $0x40, s24, s11, $0xb8;
	[tilespmem:$0x15900] =	vst v63  }
0x28: {  	_ = 	snop  }
0x29: {  	[tilespmem:s30], [sflag:$0x2] =	stream.indirect.gather [hbm4b:s3+s11], $0x40, s29, s11, $0xb8;
	[tilespmem:$0x15900] =	vst v63  }
0x2a: {  	_ =	swait.ge [sflag:s31], $0x2000  }
0x2b: {  	[sflag:s31] =	ssyncset.done $0x0  }
0x2c: {  	[sflag:s31] =	ssyncadd.s32 $0xFFFFE000  }
0x2d: {  	_ =	swait.ge [sflag:s31], $0x2000  }
0x2e: {  	[sflag:s31] =	ssyncset.done $0x0  }
0x2f: {  	[sflag:s31] =	ssyncadd.s32 $0xFFFFE000  }
0x30: {  	_ =	swait.ge [sflag:s31], $0x2000  }
0x31: {  	[sflag:s31] =	ssyncset.done $0x0  }
0x32: {  	[sflag:s31] =	ssyncadd.s32 $0xFFFFE000  }
0x33: {  	_ =	swait.ge [sflag:s31], $0x2000  }
0x34: {  	[sflag:s31] =	ssyncset.done $0x0  }
0x35: {  	[sflag:s31] =	ssyncadd.s32 $0xFFFFE000  }
0x36: {  	_ =	swait.ge [sflag:s31], $0x2000  }
0x37: {  	[sflag:s31] =	ssyncset.done $0x0  }
0x38: {  	[sflag:s31] =	ssyncadd.s32 $0xFFFFE000  }
0x39: {  	[hbm4b:s9+s2] =	stream.linear.scatter [tilespmem:s12], [sflag:$0x3], $0xA000, $0x38;
	[tilespmem:$0x15900] =	vst v63  }
0x3a: {  	_ =	swait.ge [sflag:s1], $0xA000  }
0x3b: {  	[sflag:s1] =	ssyncset.done $0x0  }
0x3c: {  	s26 =	simm.s32 $0x500;
	[sflag:s1] =	ssyncadd.s32 $0xFFFF6000  }
0x3d: {  	[tilespmem:s12], [sflag:$0x1] =	stream.indirect.gather [hbm4b:s3+s11], $0x40, s26, s11, $0xb8;
	[tilespmem:$0x15900] =	vst v63  }
0x3e: {  	s20 =	simm.s32 $0x580  }
0x3f: {  	[tilespmem:s13], [sflag:$0x1] =	stream.indirect.gather [hbm4b:s3+s11], $0x40, s20, s11, $0xb8;
	[tilespmem:$0x15900] =	vst v63  }
0x40: {  	s22 =	simm.s32 $0x600  }
0x41: {  	[tilespmem:s15], [sflag:$0x1] =	stream.indirect.gather [hbm4b:s3+s11], $0x40, s22, s11, $0xb8;
	[tilespmem:$0x15900] =	vst v63  }
0x42: {  	s24 =	simm.s32 $0x680  }
0x43: {  	[tilespmem:s17], [sflag:$0x1] =	stream.indirect.gather [hbm4b:s3+s11], $0x40, s24, s11, $0xb8;
	[tilespmem:$0x15900] =	vst v63  }
0x44: {  	s26 =	simm.s32 $0x700  }
0x45: {  	[tilespmem:s19], [sflag:$0x1] =	stream.indirect.gather [hbm4b:s3+s11], $0x40, s26, s11, $0xb8;
	[tilespmem:$0x15900] =	vst v63  }
0x46: {  	_ =	swait.ge [sflag:s0], $0x2000  }
0x47: {  	[sflag:s0] =	ssyncset.done $0x0  }
0x48: {  	[sflag:s0] =	ssyncadd.s32 $0xFFFFE000  }
0x49: {  	_ =	swait.ge [sflag:s0], $0x2000  }
0x4a: {  	[sflag:s0] =	ssyncset.done $0x0  }
0x4b: {  	[sflag:s0] =	ssyncadd.s32 $0xFFFFE000  }
0x4c: {  	_ =	swait.ge [sflag:s0], $0x2000  }
0x4d: {  	[sflag:s0] =	ssyncset.done $0x0  }
0x4e: {  	[sflag:s0] =	ssyncadd.s32 $0xFFFFE000  }
0x4f: {  	_ =	swait.ge [sflag:s0], $0x2000  }
0x50: {  	[sflag:s0] =	ssyncset.done $0x0  }
0x51: {  	[sflag:s0] =	ssyncadd.s32 $0xFFFFE000  }
0x52: {  	_ =	swait.ge [sflag:s0], $0x2000  }
0x53: {  	[sflag:s0] =	ssyncset.done $0x0  }
0x54: {  	[sflag:s0] =	ssyncadd.s32 $0xFFFFE000  }
0x55: {  	[hbm4b:s8+s2] =	stream.linear.scatter [tilespmem:s21], [sflag:$0x4], $0xA000, $0x38;
	[tilespmem:$0x15900] =	vst v63  }
0x56: {  	_ =	swait.ge [sflag:s14], $0xA000  }
0x57: {  	[sflag:s14] =	ssyncset.done $0x0  }
0x58: {  	s20 =	simm.s32 $0x780;
	[sflag:s14] =	ssyncadd.s32 $0xFFFF6000  }
0x59: {  	[tilespmem:s21], [sflag:$0x2] =	stream.indirect.gather [hbm4b:s3+s11], $0x40, s20, s11, $0xb8;
	[tilespmem:$0x15900] =	vst v63  }
0x5a: {  	s22 =	simm.s32 $0x800  }
0x5b: {  	[tilespmem:s23], [sflag:$0x2] =	stream.indirect.gather [hbm4b:s3+s11], $0x40, s22, s11, $0xb8;
	[tilespmem:$0x15900] =	vst v63  }
0x5c: {  	s18 =	simm.s32 $0x1400;
	s24 =	simm.s32 $0x880;
	s26 =	simm.s32 $0x900  }
0x5d: {  	[tilespmem:s25], [sflag:$0x2] =	stream.indirect.gather [hbm4b:s3+s11], $0x40, s24, s11, $0xb8;
	[tilespmem:$0x15900] =	vst v63  }
0x5e: {  	s20 =	sadd.s32 $0x2800, s8;
	s22 =	sadd.s32 $0x2800, s9;
	s24 =	simm.s32 $0x980  }
0x5f: {  	[tilespmem:s28], [sflag:$0x2] =	stream.indirect.gather [hbm4b:s3+s11], $0x40, s26, s11, $0xb8;
	[tilespmem:$0x15900] =	vst v63  }
.LBB2_2:
0x60: {  	[tilespmem:s30], [sflag:$0x2] =	stream.indirect.gather [hbm4b:s3+s11], $0x40, s24, s11, $0xb8;
	[tilespmem:$0x15900] =	vst v63  }
0x61: {  	s24 =	smov.u32 s18  }
0x62: {  	p0 =	sne.s32 s18, $0x3C00;
	s18 =	sadd.s32 $0x1400, s18;
	_ =	swait.ge [sflag:s31], $0x2000  }
0x63: {  	[sflag:s31] =	ssyncset.done $0x0  }
0x64: {  	[sflag:s31] =	ssyncadd.s32 $0xFFFFE000  }
0x65: {  	_ =	swait.ge [sflag:s31], $0x2000  }
0x66: {  	[sflag:s31] =	ssyncset.done $0x0  }
0x67: {  	[sflag:s31] =	ssyncadd.s32 $0xFFFFE000  }
0x68: {  	_ =	swait.ge [sflag:s31], $0x2000  }
0x69: {  	[sflag:s31] =	ssyncset.done $0x0  }
0x6a: {  	[sflag:s31] =	ssyncadd.s32 $0xFFFFE000  }
0x6b: {  	_ =	swait.ge [sflag:s31], $0x2000  }
0x6c: {  	[sflag:s31] =	ssyncset.done $0x0  }
0x6d: {  	[sflag:s31] =	ssyncadd.s32 $0xFFFFE000  }
0x6e: {  	_ =	swait.ge [sflag:s31], $0x2000  }
0x6f: {  	[sflag:s31] =	ssyncset.done $0x0  }
0x70: {  	[sflag:s31] =	ssyncadd.s32 $0xFFFFE000  }
0x71: {  	[hbm4b:s22+s2] =	stream.linear.scatter [tilespmem:s12], [sflag:$0x3], $0xA000, $0x38;
	[tilespmem:$0x15900] =	vst v63  }
0x72: {  	_ =	swait.ge [sflag:s1], $0xA000  }
0x73: {  	s24 =	sshra.s32 s24, $0x2;
	[sflag:s1] =	ssyncset.done $0x0  }
0x74: {  	s26 =	sadd.s32 $0x500, s24;
	[sflag:s1] =	ssyncadd.s32 $0xFFFF6000  }
0x75: {  	[tilespmem:s12], [sflag:$0x1] =	stream.indirect.gather [hbm4b:s3+s11], $0x40, s26, s11, $0xb8;
	[tilespmem:$0x15900] =	vst v63  }
0x76: {  	s26 =	sadd.s32 $0x580, s24  }
0x77: {  	[tilespmem:s13], [sflag:$0x1] =	stream.indirect.gather [hbm4b:s3+s11], $0x40, s26, s11, $0xb8;
	[tilespmem:$0x15900] =	vst v63  }
0x78: {  	s26 =	sadd.s32 $0x600, s24  }
0x79: {  	[tilespmem:s15], [sflag:$0x1] =	stream.indirect.gather [hbm4b:s3+s11], $0x40, s26, s11, $0xb8;
	[tilespmem:$0x15900] =	vst v63  }
0x7a: {  	s26 =	sadd.s32 $0x680, s24  }
0x7b: {  	[tilespmem:s17], [sflag:$0x1] =	stream.indirect.gather [hbm4b:s3+s11], $0x40, s26, s11, $0xb8;
	[tilespmem:$0x15900] =	vst v63  }
0x7c: {  	s26 =	sadd.s32 $0x700, s24  }
0x7d: {  	[tilespmem:s19], [sflag:$0x1] =	stream.indirect.gather [hbm4b:s3+s11], $0x40, s26, s11, $0xb8;
	[tilespmem:$0x15900] =	vst v63  }
0x7e: {  	_ =	swait.ge [sflag:s0], $0x2000  }
0x7f: {  	[sflag:s0] =	ssyncset.done $0x0  }
0x80: {  	[sflag:s0] =	ssyncadd.s32 $0xFFFFE000  }
0x81: {  	_ =	swait.ge [sflag:s0], $0x2000  }
0x82: {  	[sflag:s0] =	ssyncset.done $0x0  }
0x83: {  	[sflag:s0] =	ssyncadd.s32 $0xFFFFE000  }
0x84: {  	_ =	swait.ge [sflag:s0], $0x2000  }
0x85: {  	[sflag:s0] =	ssyncset.done $0x0  }
0x86: {  	[sflag:s0] =	ssyncadd.s32 $0xFFFFE000  }
0x87: {  	_ =	swait.ge [sflag:s0], $0x2000  }
0x88: {  	[sflag:s0] =	ssyncset.done $0x0  }
0x89: {  	[sflag:s0] =	ssyncadd.s32 $0xFFFFE000  }
0x8a: {  	_ =	swait.ge [sflag:s0], $0x2000  }
0x8b: {  	[sflag:s0] =	ssyncset.done $0x0  }
0x8c: {  	[sflag:s0] =	ssyncadd.s32 $0xFFFFE000  }
0x8d: {  	[hbm4b:s20+s2] =	stream.linear.scatter [tilespmem:s21], [sflag:$0x4], $0xA000, $0x38;
	[tilespmem:$0x15900] =	vst v63  }
0x8e: {  	_ =	swait.ge [sflag:s14], $0xA000  }
0x8f: {  	[sflag:s14] =	ssyncset.done $0x0  }
0x90: {  	s26 =	sadd.s32 $0x780, s24;
	[sflag:s14] =	ssyncadd.s32 $0xFFFF6000  }
0x91: {  	[tilespmem:s21], [sflag:$0x2] =	stream.indirect.gather [hbm4b:s3+s11], $0x40, s26, s11, $0xb8;
	[tilespmem:$0x15900] =	vst v63  }
0x92: {  	s26 =	sadd.s32 $0x800, s24  }
0x93: {  	[tilespmem:s23], [sflag:$0x2] =	stream.indirect.gather [hbm4b:s3+s11], $0x40, s26, s11, $0xb8;
	[tilespmem:$0x15900] =	vst v63  }
.Ltmp0:
0x94: {  	s26 =	sadd.s32 $0x880, s24;
	(pc) =	sbr.rel @p0 .LBB2_2-.Ltmp0, $4  }
0x95: {  	[tilespmem:s25], [sflag:$0x2] =	stream.indirect.gather [hbm4b:s3+s11], $0x40, s26, s11, $0xb8;
	[tilespmem:$0x15900] =	vst v63  }
0x96: {  	s26 =	sadd.s32 $0x900, s24  }
0x97: {  	[tilespmem:s28], [sflag:$0x2] =	stream.indirect.gather [hbm4b:s3+s11], $0x40, s26, s11, $0xb8;
	[tilespmem:$0x15900] =	vst v63  }
0x98: {  	s22 =	sadd.s32 $0x2800, s22;
	s20 =	sadd.s32 $0x2800, s20;
	s24 =	sadd.s32 $0x980, s24  }
0x99: {  	[tilespmem:s30], [sflag:$0x2] =	stream.indirect.gather [hbm4b:s3+s11], $0x40, s24, s11, $0xb8;
	[tilespmem:$0x15900] =	vst v63  }
0x9a: {  	_ =	swait.ge [sflag:s31], $0x2000  }
0x9b: {  	[sflag:s31] =	ssyncset.done $0x0  }
0x9c: {  	[sflag:s31] =	ssyncadd.s32 $0xFFFFE000  }
0x9d: {  	_ =	swait.ge [sflag:s31], $0x2000  }
0x9e: {  	[sflag:s31] =	ssyncset.done $0x0  }
0x9f: {  	[sflag:s31] =	ssyncadd.s32 $0xFFFFE000  }
0xa0: {  	_ =	swait.ge [sflag:s31], $0x2000  }
0xa1: {  	[sflag:s31] =	ssyncset.done $0x0  }
0xa2: {  	[sflag:s31] =	ssyncadd.s32 $0xFFFFE000  }
0xa3: {  	_ =	swait.ge [sflag:s31], $0x2000  }
0xa4: {  	[sflag:s31] =	ssyncset.done $0x0  }
0xa5: {  	[sflag:s31] =	ssyncadd.s32 $0xFFFFE000  }
0xa6: {  	_ =	swait.ge [sflag:s31], $0x2000  }
0xa7: {  	[sflag:s31] =	ssyncset.done $0x0  }
0xa8: {  	[sflag:s31] =	ssyncadd.s32 $0xFFFFE000  }
0xa9: {  	[hbm4b:s6+s2] =	stream.linear.scatter [tilespmem:s12], [sflag:$0x3], $0xA000, $0x38;
	[tilespmem:$0x15900] =	vst v63  }
0xaa: {  	_ =	swait.ge [sflag:s0], $0x2000  }
0xab: {  	[sflag:s0] =	ssyncset.done $0x0  }
0xac: {  	[sflag:s0] =	ssyncadd.s32 $0xFFFFE000  }
0xad: {  	_ =	swait.ge [sflag:s0], $0x2000  }
0xae: {  	[sflag:s0] =	ssyncset.done $0x0  }
0xaf: {  	[sflag:s0] =	ssyncadd.s32 $0xFFFFE000  }
0xb0: {  	_ =	swait.ge [sflag:s0], $0x2000  }
0xb1: {  	[sflag:s0] =	ssyncset.done $0x0  }
0xb2: {  	[sflag:s0] =	ssyncadd.s32 $0xFFFFE000  }
0xb3: {  	_ =	swait.ge [sflag:s0], $0x2000  }
0xb4: {  	[sflag:s0] =	ssyncset.done $0x0  }
0xb5: {  	[sflag:s0] =	ssyncadd.s32 $0xFFFFE000  }
0xb6: {  	_ =	swait.ge [sflag:s0], $0x2000  }
0xb7: {  	[sflag:s0] =	ssyncset.done $0x0  }
0xb8: {  	s16 =	sadd.s32 $0x1, s16;
	[sflag:s0] =	ssyncadd.s32 $0xFFFFE000  }
0xb9: {  	[hbm4b:s7+s2] =	stream.linear.scatter [tilespmem:s21], [sflag:$0x4], $0xA000, $0x38;
	[tilespmem:$0x15900] =	vst v63  }
0xba: {  	p0 =	sne.s32 s16, s5;
	_ =	swait.ge [sflag:s1], $0xA000  }
.Ltmp1:
0xbb: {  	[sflag:s1] =	ssyncset.done $0x0;
	(pc) =	sbr.rel @p0 .LBB2_1-.Ltmp1, $4  }
0xbc: {  	[sflag:s1] =	ssyncadd.s32 $0xFFFF6000  }
0xbd: {  	_ =	swait.ge [sflag:s14], $0xA000  }
0xbe: {  	[sflag:s14] =	ssyncset.done $0x0  }
0xbf: {  	[sflag:s14] =	ssyncadd.s32 $0xFFFF6000  }
0xc0: {  	_ =	sfence.sel $0x180000  }
0xc1: {  	[bflag:$0x0] =	sbarrier.arrive $0xFFFF  }
0xc2: {  	_ =	strace $0x90000047  }
0xc3: {  	s0 =	stileid.u32;
	[bflag:$0x2] =	sbarrier.arrive $0xFFFF  }
0xc4: {  	p0 =	sne.s32 s0, $0x0;
	s0 =	rddreg [dreg:$0x2]  }
0xc5: {  	s0 =	sadd.s32 @!p0 $0x100000, s0  }
0xc6: {  	[sflag:s0] =	ssyncadd.tile.s32 @!p0 $0x1;
	_ =	shalt  }
.Lfunc_end2:
_tile_overlayer_lowered:
.L_overlay_start_2:
0xc7: {  	(tag) =	ssettag $0x2  }
0xc8: {  	s0 =	rddreg [dreg:$0x0];
	s2 =	stileid.u32  }
0xc9: {  	s1 =	rddreg [dreg:$0x1];
	p0 =	sne.s32 s2, $0x0  }
0xca: {  	s3 =	rddreg [dreg:$0x2];
	[bflag:$0x3] =	sbarrier.arrive $0xFFFF;
	s2 =	simm.s32 @!p0 $0x1C05  }
0xcb: {  	[timem:s3], [sflag:s2] =	dma.local @!p0 [hbm:s0], s1  }
0xcc: {  	s0 =	simm.s32 @!p0 $0x5  }
0xcd: {  	_ =	swait.ge @!p0 [sflag:s0], s1  }
0xce: {  	s1 =	ssub.s32 @!p0 $0x0, s1;
	[sflag:s0] =	ssyncset.done @!p0 $0x0  }
0xcf: {  	[sflag:s0] =	ssyncadd.s32 @!p0 s1  }
0xd0: {  	[bflag:$0x3] =	sbarrier.arrive $0xFFFF  }
0xd1: {  	_ =	shalt  }

// kernel: sparse-core-data-format-call.cloned.1.call-start
scs
called_computation_lowered:
.L_overlay_start_0:
0x0: {  	s2 =	sld [smem:$0x3FD9]  }
0x1: {  	s3 =	sld [smem:$0x3FFE];
	_ =	sdelay $0x1  }
0x2: {  	s1 =	srdreg.scid  }
0x3: {  	s0 =	sand.u32 $0x1, s1  }
0x4: {  	s18 =	sshll.u32 s0, $0xA;
	s2 =	sadd.s32 s3, s2  }
0x5: {  	s2 =	sadd.s32 s2, s18  }
0x6: {  	[smem:$0x3FC6] =	sst s2  }
0x7: {  	_ = 	snop  }
0x8: {  	s2 =	sld [smem:$0x3FD0];
	(tm) =	ssettm $0x1  }
0x9: {  	s19 =	sld [smem:$0x3FFB];
	_ =	sdelay $0x3  }
0xa: {  	_ =	strace s19  }
0xb: {  	s3 =	sld [smem:$0x3FFC];
	_ =	sdelay $0x3  }
0xc: {  	_ =	strace s3  }
0xd: {  	s3 =	sld [smem:$0x3FFD];
	_ =	sdelay $0x3  }
0xe: {  	_ =	strace s3  }
0xf: {  	_ =	strace $0x8FFFFFFF  }
0x10: {  	s20 =	sld [smem:$0x3FDB];
	_ =	sdelay $0x1  }
0x11: {  	s4 =	simm.s32 $_scs_section_size  }
0x12: {  	s5 =	simm.s32 $_size__tile_overlayer_lowered;
	s6 =	simm.s32 $_tile_overlayer_lowered  }
0x13: {  	s23 =	simm.s32 $0x1BFF;
	s22 =	sshll.u32 s6, $0x1;
	s3 =	sadd.s32 s4, s20  }
0x14: {  	s7 =	simm.s32 $0x0;
	s21 =	sshll.u32 s5, $0x1;
	s5 =	sadd.s32 s22, s3  }
0x15: {  	[timem:s7], [sflag:s23] =	dma.local [hbm:s5], s21  }
0x16: {  	_ =	swait.ge [sflag:s23], s21  }
0x17: {  	s4 =	ssub.s32 $0x0, s21;
	[sflag:s23] =	ssyncset.done $0x0  }
0x18: {  	[sflag:s23] =	ssyncadd.s32 s4;
	_ =	sdelay $0x1  }
0x19: {  	s24 =	simm.s32 $0x1B8B  }
0x1a: {  	_ =	swait.ge [sflag:s24], $0x1  }
0x1b: {  	[sflag:s24] =	ssyncset.done $0x0  }
0x1c: {  	s26 =	simm.s32 $0x1B8E;
	s25 =	sld [smem:$0x3FFE];
	[sflag:s24] =	ssyncadd.s32 $0xFFFFFFFF  }
0x1d: {  	s27 =	simm.s32 $execute0_lowered;
	[smem:$0x3FD2] =	sst s26  }
0x1e: {  	s5 =	sshll.u32 s27, $0x1;
	_ =	strace $0x80000049;
	[dreg:$0x1] =	wrdreg $0xFFFFFFFF  }
0x1f: {  	s28 =	simm.s32 $_size_execute0_lowered;
	s3 =	sadd.s32 s3, s5;
	[dreg:$0x0] =	wrdreg $0x0  }
0x20: {  	s5 =	sshll.u32 s28, $0x1;
	[dreg:$0x2] =	wrdreg s3  }
0x21: {  	[dreg:$0x3] =	wrdreg s5  }
0x22: {  	[dreg:$0x4] =	wrdreg $0xC0  }
0x23: {  	_ =	task [dreg:s7], $0x5FFFF  }
0x24: {  	[dreg:$0x1] =	wrdreg $0xFFFFFFFF  }
0x25: {  	[dreg:$0x0] =	wrdreg $0x60  }
0x26: {  	[dreg:$0x2] =	wrdreg s25  }
0x27: {  	[dreg:$0x3] =	wrdreg s2  }
0x28: {  	[dreg:$0x4] =	wrdreg $0x9  }
0x29: {  	_ =	task.clear_ibuf [dreg:s7], $0x5FFFF;
	_ =	strace $0x90000049  }
0x2a: {  	s29 =	simm.s32 $0x9;
	_ =	strace $0x8000004B  }
0x2b: {  	_ =	swait.ge [sflag:s29], $0x1  }
0x2c: {  	[sflag:s29] =	ssyncadd.s32 $0xFFFFFFFF  }
0x2d: {  	_ =	strace $0x9000004B  }
0x2e: {  	_ =	sfence  }
0x2f: {  	s30 =	sld [smem:$0x0];
	_ =	sdelay $0x2  }
0x30: {  	s31 =	sshll.u32 s1, $0xD;
	s1 =	sshrl.u32 s1, $0x2  }
0x31: {  	s3 =	sand.u32 $0x4000, s31;
	s1 =	sadd.s32 s1, s30  }
0x32: {  	s0 =	sor.u32 s3, s0;
	s1 =	sshll.u32 s1, $0x11  }
0x33: {  	s0 =	sor.u32 s1, s0  }
0x34: {  	s0 =	sadd.s32 $0x8F2B, s0  }
0x35: {  	[sflag:s0] =	ssyncadd.remote.s32 $0x1  }
0x36: {  	_ =	sfence.sel $0xFFFF  }
0x37: {  	[dreg:$0x0] =	wrdreg $0xFFFFFFFF;
	(pc) =	sbr.abs _section_cstart, $3  }
0x38: {  	[dreg:$0x1] =	wrdreg $0xFFFFFFFF  }
0x39: {  	_ =	task.clear_ibuf [dreg:s7], $0x2FFFF;
	_ =	strace $0x9FFFFFFF  }
0x3a: {  	(tm) =	ssettm $0x7FFFFFFF  }
0x3b: {  	_ =	shalt  }
tec
execute0_lowered:
.L_overlay_start_1:
0x0: {  	(tag) =	ssettag $0x1  }
0x1: {  	s0 =	srdreg.scid  }
0x2: {  	s1 =	sshll.u32 s0, $0x4  }
0x3: {  	s0 =	stileid.u32;
	s1 =	sand.u32 $0x10, s1  }
0x4: {  	s1 =	sor.u32 s0, s1  }
0x5: {  	s6 =	rddreg [dreg:$0x0];
	s4 =	simm.s32 $0x1;
	s2 =	sshll.u32 s1, $0x7  }
0x6: {  	s7 =	simm.s32 $0x2;
	s12 =	simm.s32 $0x0;
	s1 =	ssub.s32 $0x1000, s2  }
0x7: {  	s8 =	simm.s32 $0x8000;
	s13 =	simm.s32 $0x0;
	s3 =	sand.u32 $0xF80, s1  }
0x8: {  	s9 =	simm.s32 $0x0;
	s5 =	sshrl.u32 s1, $0xC;
	p0 =	sne.s32 s3, $0x0  }
.Ltmp0:
0x9: {  	s1 =	rddreg [dreg:$0x2];
	s4 =	simm.s32 @!p0 $0x0;
	(pc) =	sbr.rel .LBB1_1-.Ltmp0, $4  }
0xa: {  	s11 =	simm.s32 $0x0;
	s3 =	rddreg [dreg:$0x1];
	s5 =	sadd.s32 s4, s5  }
0xb: {  	_ =	strace $0x8000004A;
	s4 =	simm.s32 $0x1;
	s5 =	smul.u32 $0x32, s5  }
0xc: {  	s6 =	sadd.s32 $0xA00, s6;
	s10 =	smov.u32 s2;
	[sflag:s4] =	ssyncpa.u1 $0x0  }
0xd: {  	p0 =	por $0x0, $0x0;
	[sflag:s7] =	ssyncpa.u1 $0x0;
	s7 =	sor.u32 $0x1, s5  }
.LBB1_4:
0xe: {  	s16 =	sshll.u32 s13, $0x3;
	s17 =	sand.u32 $0x78, s13  }
0xf: {  	s30 =	sand.u32 $0x7E00, s13;
	s12 =	sshll.u32 s12, $0xF;
	s16 =	sand.u32 $0xC00, s16  }
0x10: {  	[tilespmem:s15+$0x810 ss:$0x81] =	vst.msk $0xffff, v2;
	s31 =	sand.u32 $0x7, s13;
	s16 =	sor.u32 s17, s16;
	s17 =	sadd.s32 s3, s30  }
0x11: {  	[tilespmem:s15+$0x1020 ss:$0x81] =	vst.msk $0xffff, v0;
	s13 =	sshll.u32 s31, $0x12;
	s12 =	sadd.s32 s12, s17;
	s16 =	sshrl.u32 s16, $0x3  }
0x12: {  	[tilespmem:s15+$0x0 ss:$0x81] =	vst.msk $0xffff, v1;
	s13 =	sor.u32 $0x400, s13;
	s12 =	sadd.s32 s16, s12  }
0x13: {  	[hbm4b:s12+s13] =	stream.strided.scatter [tilespmem:s14], [sflag:$0x2], $0x2000, s8, s13, $0x20;
	[tilespmem:$0x8080] =	vst v63  }
.LBB1_5:
0x14: {  	s14 =	sadd.s32 $0x1, s9  }
0x15: {  	s12 =	sadd.s32 $0x1000, s10;
	s16 =	smov.u32 s10;
	p2 =	sgt.s32 s14, $0x31  }
0x16: {  	s16 =	smov.u32 @p2 s12  }
0x17: {  	s14 =	simm.s32 @p2 $0x0;
	p2 =	sgt.s32 s16, $0xFFF  }
0x18: {  	s16 =	smov.u32 @p2 s2;
	p2 =	sne.s32 s11, s7  }
.Ltmp1:
0x19: {  	p1 =	slt.u32 s11, $0x2;
	(pc) =	sbr.rel @!p2 .LBB1_6-.Ltmp1, $4  }
0x1a: {  	s15 =	simm.s32 @!p1 $0x2  }
0x1b: {  	s13 =	smov.u32 s10;
	p0 =	por !p0, !p0;
	_ =	swait.ge @!p1 [sflag:s15], $0x2000  }
0x1c: {  	s12 =	smov.u32 s9;
	[sflag:s15] =	ssyncset.done @!p1 $0x0;
	s9 =	smov.u32 s14  }
0x1d: {  	s11 =	sadd.s32 $0x1, s11;
	[sflag:s15] =	ssyncadd.s32 @!p1 $0xFFFFE000;
	s10 =	smov.u32 s16  }
.LBB1_1:
0x1e: {  	p1 =	sge.u32 s11, s5  }
0x1f: {  	s14 =	sand.u32 @!p1 $0x1FFFFFF, s9  }
0x20: {  	s15 =	smulhi.u32 @!p1 $0x4924925, s14;
	_ =	sdelay $0x1  }
0x21: {  	s15 =	smul.u32 @!p1 $0x38, s15  }
0x22: {  	s16 =	sxor.u32 @!p1 $0xFFFFFFFF, s11;
	s17 =	smul.u32 @!p1 $0x380, s10  }
0x23: {  	s31 =	sadd.s32 $0xFFFFFFFF, s11;
	s16 =	sshll.u32 @!p1 s16, $0xD;
	s14 =	ssub.s32 @!p1 s14, s15  }
0x24: {  	s15 =	sand.u32 @!p1 $0x2000, s16;
	s16 =	sadd.s32 @!p1 s6, s17;
	s14 =	sshll.u32 @!p1 s14, $0x4  }
0x25: {  	s17 =	simm.s32 @!p1 $0x1C00;
	s14 =	sadd.s32 @!p1 s14, s16;
	s16 =	simm.s32 @!p1 $0x40  }
0x26: {  	[tilespmem:s15], [sflag:$0x1] =	stream.strided.gather @!p1 [hbm4b:s14+s16], $0x2000, s17, s16, $0x38;
	[tilespmem:$0x8080] =	vst v63  }
0x27: {  	p1 =	sge.u32 s31, s5  }
.Ltmp2:
0x28: {  	_ = 	snop;
	(pc) =	sbr.rel @p1 .LBB1_5-.Ltmp2, $1  }
0x29: {  	_ =	sdelay $0x3  }
0x2a: {  	s14 =	simm.s32 $0x1  }
0x2b: {  	_ =	swait.ge [sflag:s4], $0x2000;
	s14 =	simm.s32 @!p0 $0x0  }
0x2c: {  	[sflag:s4] =	ssyncset.done $0x0;
	s15 =	sshll.u32 s14, $0xD  }
0x2d: {  	[sflag:s4] =	ssyncadd.s32 $0xFFFFE000;
	s18 =	sor.u32 $0x20, s15  }
0x2e: {  	s14 =	smul.u32 $0x8100, s14;
	v3 =	vld [tilespmem:s18+$0x10]  }
0x2f: {  	s30 =	sand.u32 $0x1, s11;
	v2 =	vld [tilespmem:s18+$0xFFFFFFF0]  }
0x30: {  	s15 =	smul.u32 $0x8100, s30;
	s14 =	sshrl.u32 s14, $0x2;
	v0 =	vld [tilespmem:s18+$0x0]  }
0x31: {  	v1 =	vld [tilespmem:s18+$0xFFFFFFE0];
	s16 =	sor.u32 $0x4000, s14  }
0x32: {  	s31 =	sshrl.u32 s15, $0x2;
	s15 =	sadd.s32 $0x0, s16  }
0x33: {  	s17 =	simm.s32 $0x4;
	s18 =	sadd.s32 $0x40, s18;
	s14 =	sor.u32 $0x4000, s31;
	[tilespmem:s15+$0x1830 ss:$0x81] =	vst.msk $0xffff, v3  }
.LBB1_3:
0x34: {  	v3 =	vld [tilespmem:s18+$0x10];
	p1 =	sne.s32 s17, $0x1FC;
	[tilespmem:s15+$0x810 ss:$0x81] =	vst.msk $0xffff, v2;
	s19 =	smov.u32 s17;
	s17 =	sadd.s32 $0x4, s17  }
.Ltmp3:
0x35: {  	v2 =	vld [tilespmem:s18+$0xFFFFFFF0];
	[tilespmem:s15+$0x1020 ss:$0x81] =	vst.msk $0xffff, v0;
	(pc) =	sbr.rel @p1 .LBB1_3-.Ltmp3, $4  }
0x36: {  	v0 =	vld [tilespmem:s18+$0x0];
	[tilespmem:s15+$0x0 ss:$0x81] =	vst.msk $0xffff, v1  }
0x37: {  	s15 =	sshra.s32 s19, $0x2;
	v1 =	vld [tilespmem:s18+$0xFFFFFFE0]  }
0x38: {  	s15 =	sadd.s32 s15, s16  }
0x39: {  	s18 =	sadd.s32 $0x40, s18;
	[tilespmem:s15+$0x1830 ss:$0x81] =	vst.msk $0xffff, v3  }
.Ltmp4:
0x3a: {  	_ = 	snop;
	(pc) =	sbr.rel .LBB1_4-.Ltmp4, $1  }
0x3b: {  	_ =	sdelay $0x3  }
.LBB1_6:
0x3c: {  	_ =	sfence.sel $0x180000  }
0x3d: {  	s2 =	simm.s32 $0x1;
	[bflag:$0x0] =	sbarrier.arrive $0xFFFF  }
0x3e: {  	s31 =	simm.s32 $0x2;
	[sflag:s2] =	ssyncpa.u1 $0x1  }
0x3f: {  	[sflag:s31] =	ssyncpa.u1 $0x1  }
0x40: {  	p0 =	sne.s32 s0, $0x0;
	_ =	strace $0x9000004A  }
0x41: {  	s0 =	sadd.s32 @!p0 $0x100000, s1;
	[bflag:$0x2] =	sbarrier.arrive $0xFFFF  }
0x42: {  	[sflag:s0] =	ssyncadd.tile.s32 @!p0 $0x1;
	_ =	shalt  }
.Lfunc_end1:
_tile_overlayer_lowered:
.L_overlay_start_2:
0x43: {  	(tag) =	ssettag $0x2  }
0x44: {  	s0 =	rddreg [dreg:$0x0];
	s2 =	stileid.u32  }
0x45: {  	s1 =	rddreg [dreg:$0x1];
	p0 =	sne.s32 s2, $0x0  }
0x46: {  	s3 =	rddreg [dreg:$0x2];
	[bflag:$0x3] =	sbarrier.arrive $0xFFFF;
	s2 =	simm.s32 @!p0 $0x1C01  }
0x47: {  	[timem:s3], [sflag:s2] =	dma.local @!p0 [hbm:s0], s1  }
0x48: {  	s0 =	simm.s32 @!p0 $0x1  }
0x49: {  	_ =	swait.ge @!p0 [sflag:s0], s1  }
0x4a: {  	s1 =	ssub.s32 @!p0 $0x0, s1;
	[sflag:s0] =	ssyncset.done @!p0 $0x0  }
0x4b: {  	[sflag:s0] =	ssyncadd.s32 @!p0 s1  }
0x4c: {  	[bflag:$0x3] =	sbarrier.arrive $0xFFFF  }
0x4d: {  	_ =	shalt  }

</sc_bundles>
